<compile_context>
chip_gen: v7x
topology: tpu7x:2x2x1
jax: 0.10.2.dev20260603
libtpu: 0.0.44.dev20260713+nightly
codegen_flags: <defaults>
</compile_context>

<pallas_src>
import functools

import jax
import jax.numpy as jnp
from jax import lax
from jax.experimental import pallas as pl
from jax.experimental.pallas import tpu as pltpu
from jax.experimental.pallas import tpu_sc as plsc

N_ITEMS = 8192
BATCH_N = 1024
LAT = 200
TAU_C = 0.2

_NC = 2
_NS = 16
_NW = _NC * _NS
_BPW = BATCH_N // _NW
_CH = 8
_HALFROW = N_ITEMS // 2
_NU = (_BPW // _CH) * 2
_NBUF = 3


@functools.cache
def _make_sc_gather():
    @functools.partial(
        pl.kernel,
        mesh=plsc.VectorSubcoreMesh(core_axis_name="c", subcore_axis_name="s"),
        out_type=jax.ShapeDtypeStruct((BATCH_N, N_ITEMS), jnp.float32),
        scratch_types=[
            pltpu.VMEM((_BPW,), jnp.int32),
        ] + [pltpu.VMEM((_CH, _HALFROW), jnp.float32) for _ in range(_NBUF)]
          + [pltpu.SemaphoreType.DMA for _ in range(_NBUF)],
    )
    def _sc_gather(gram_hbm, idx_hbm, out_hbm, idx_v, *bufsems):
        bufs, sems = bufsems[:_NBUF], bufsems[_NBUF:]
        wid = lax.axis_index("s") * _NC + lax.axis_index("c")
        base = wid * _BPW

        def unit_src(u):
            c, h = u // 2, u % 2
            return gram_hbm.at[idx_v.at[pl.ds(c * _CH, _CH)],
                               pl.ds(h * _HALFROW, _HALFROW)]

        def unit_dst(u):
            c, h = u // 2, u % 2
            return out_hbm.at[pl.ds(base + c * _CH, _CH),
                              pl.ds(h * _HALFROW, _HALFROW)]

        pltpu.sync_copy(idx_hbm.at[pl.ds(base, _BPW)], idx_v)
        copies = [pltpu.async_copy(unit_src(u), bufs[u], sems[u])
                  for u in range(_NBUF)]
        for u in range(_NU):
            copies[u].wait()
            pltpu.sync_copy(bufs[u % _NBUF], unit_dst(u))
            if u + _NBUF < _NU:
                copies.append(pltpu.async_copy(
                    unit_src(u + _NBUF),
                    bufs[(u + _NBUF) % _NBUF], sems[(u + _NBUF) % _NBUF]))

    return _sc_gather


_MBLK = 128
_GRID = BATCH_N // _MBLK


def _dot_nt(a, b):
    return lax.dot_general(a, b, (((1,), (1,)), ((), ())),
                           preferred_element_type=jnp.float32)


def _dot_tn(a, b):
    return lax.dot_general(a, b, (((0,), (0,)), ((), ())),
                           preferred_element_type=jnp.float32)


def _tc_body(gath_ref, rate_ref, w1t_ref, b1c_ref, w2mt_ref, w2lt_ref,
             b2mc_ref, b2lc_ref, itT_ref, bi0_ref, zt_ref, out_ref, kl_ref,
             csc_ref):
    i = pl.program_id(0)

    @pl.when(i == 0)
    def _init():
        it = itT_ref[...]
        cn = jnp.sum(it * it, axis=0, keepdims=True)
        csc_ref[...] = 1.0 / jnp.maximum(jnp.sqrt(cn), 1e-12)
        kl_ref[...] = jnp.zeros((1, 1), jnp.float32)

    x = gath_ref[...] * (rate_ref[...] > 0).astype(jnp.float32)
    ss = jnp.sum(x * x, axis=1, keepdims=True)
    bi0 = x * (1.0 / jnp.maximum(jnp.sqrt(ss), 1e-12))
    bi0_ref[...] = bi0
    ht = jnp.tanh(_dot_nt(w1t_ref[...], bi0) + b1c_ref[...])
    meant = jnp.dot(w2mt_ref[...], ht,
                    preferred_element_type=jnp.float32) + b2mc_ref[...]
    logvart = jnp.dot(w2lt_ref[...], ht,
                      preferred_element_type=jnp.float32) + b2lc_ref[...]
    zt_ref[:, pl.ds(i * _MBLK, _MBLK)] = meant
    kl_ref[...] += jnp.sum(
        meant * meant + jnp.exp(logvart) - 1.0 - logvart).reshape(1, 1)
    zs = jnp.sum(meant * meant, axis=0, keepdims=True)
    znt = meant * (1.0 / jnp.maximum(jnp.sqrt(zs), 1e-12))
    out_ref[...] = (_dot_tn(znt, itT_ref[...])
                    * csc_ref[...]) * (1.0 / TAU_C)


def _tc_encoder(gathered, rating, W1T, b1c, W2mT, W2lT, b2mc, b2lc, itT):
    full = lambda shp: pl.BlockSpec(shp, lambda i: (0, 0))
    blk = lambda shp: pl.BlockSpec(shp, lambda i: (i, 0))
    return pl.pallas_call(
        _tc_body,
        grid=(_GRID,),
        in_specs=[
            blk((_MBLK, N_ITEMS)),
            blk((_MBLK, N_ITEMS)),
            full((600, N_ITEMS)),
            full((600, 1)),
            full((LAT, 600)),
            full((LAT, 600)),
            full((LAT, 1)),
            full((LAT, 1)),
            full((LAT, N_ITEMS)),
        ],
        out_specs=[
            blk((_MBLK, N_ITEMS)),
            pl.BlockSpec((LAT, BATCH_N), lambda i: (0, 0)),
            blk((_MBLK, N_ITEMS)),
            pl.BlockSpec((1, 1), lambda i: (0, 0)),
        ],
        out_shape=[
            jax.ShapeDtypeStruct((BATCH_N, N_ITEMS), jnp.float32),
            jax.ShapeDtypeStruct((LAT, BATCH_N), jnp.float32),
            jax.ShapeDtypeStruct((BATCH_N, N_ITEMS), jnp.float32),
            jax.ShapeDtypeStruct((1, 1), jnp.float32),
        ],
        scratch_shapes=[pltpu.VMEM((1, N_ITEMS), jnp.float32)],
        compiler_params=pltpu.CompilerParams(
            vmem_limit_bytes=100 * 1024 * 1024),
    )(gathered, rating, W1T, b1c, W2mT, W2lT, b2mc, b2lc, itT)


def kernel(rating_matrix_batch, rating_matrix_batch2, gram_matrix, W1, b1,
           W2, b2, items):
    idx = rating_matrix_batch2.astype(jnp.int32)
    gathered = _make_sc_gather()(gram_matrix, idx)

    W1T = W1.T
    itT = items.T
    b1c = b1.reshape(600, 1)
    W2T = W2.T
    W2mT = W2T[:LAT]
    W2lT = W2T[LAT:]
    b2mc = b2[:LAT].reshape(LAT, 1)
    b2lc = b2[LAT:].reshape(LAT, 1)

    bi0, zt_p, out, klp = _tc_encoder(
        gathered, rating_matrix_batch, W1T, b1c, W2mT, W2lT, b2mc, b2lc, itT)
    z = zt_p.T
    kl = 0.5 * klp[0, 0] / BATCH_N
    return (z, out, kl, bi0)

# --- scband reference (transcript-rebuilt; emitter-appended) ---
"""Pipeline reference for scband-vkde-18476949307509 (READ-ONLY COPY).

The authoritative reference and input builder live on the scoring server;
editing this copy changes nothing except your own understanding.
"""

import jax, jax.numpy as jnp
import numpy as np

NUM_ITEMS = 8192
BATCH = 1024
H1 = 600
LATENT = 200
TAU = 0.2


def _l2norm(x, axis=1, eps=1e-12):
    n = jnp.sqrt(jnp.sum(x * x, axis=axis, keepdims=True))
    return x / jnp.maximum(n, eps)


def _l1norm(x, axis=1, eps=1e-12):
    n = jnp.sum(jnp.abs(x), axis=axis, keepdims=True)
    return x / jnp.maximum(n, eps)


def setup_inputs(seed: int = 0) -> dict:
    key = jax.random.key(seed)
    k0, k1, k2, k3, k4, k5, k6, k7 = [jax.random.fold_in(key, i) for i in range(8)]
    # implicit-feedback rating rows: binary 0/1 (randint fill, cast to float32)
    rating_matrix_batch = jax.random.randint(k0, (BATCH, NUM_ITEMS), 0, 2).astype(jnp.float32)
    rating_matrix_batch2 = jax.random.randint(k1, (BATCH,), 0, NUM_ITEMS).astype(jnp.int64)
    # learned / buffer tensors
    gram_matrix = jax.random.normal(k2, (NUM_ITEMS, NUM_ITEMS), dtype=jnp.float32) * 0.02
    W1 = jax.random.normal(k3, (NUM_ITEMS, H1), dtype=jnp.float32) * (1.0 / np.sqrt(NUM_ITEMS))
    b1 = jax.random.normal(k4, (H1,), dtype=jnp.float32) * 0.001
    W2 = jax.random.normal(k5, (H1, 2 * LATENT), dtype=jnp.float32) * (1.0 / np.sqrt(H1))
    b2 = jax.random.normal(k6, (2 * LATENT,), dtype=jnp.float32) * 0.001
    items = jax.random.normal(k7, (NUM_ITEMS, LATENT), dtype=jnp.float32) * (1.0 / np.sqrt(LATENT))
    return {
        'rating_matrix_batch': rating_matrix_batch,
        'rating_matrix_batch2': rating_matrix_batch2,
        'gram_matrix': gram_matrix,
        'W1': W1, 'b1': b1, 'W2': W2, 'b2': b2,
        'items': items,
    }


def reference(rating_matrix_batch, rating_matrix_batch2, gram_matrix, W1, b1, W2, b2, items):
    # F.normalize(rating_matrix_batch, p=2, dim=1); dropout off (eval mode)
    batch_input0 = _l2norm(rating_matrix_batch, axis=1)
    batch_input01 = jnp.where(batch_input0 > 0, jnp.ones_like(batch_input0), jnp.zeros_like(batch_input0))
    # memory-bound gather of per-user sampled similarity rows
    item_similars_sampled = jnp.take(gram_matrix, rating_matrix_batch2, axis=0)
    input_item_sampled = item_similars_sampled * batch_input01
    input_item_sampled = _l1norm(input_item_sampled, axis=1)
    batch_input0 = _l2norm(input_item_sampled, axis=1)
    # encoder: Linear -> tanh -> Linear (last layer outputs 2*latent)
    h = jnp.tanh(batch_input0 @ W1 + b1)
    x = h @ W2 + b2
    mean = x[:, :LATENT]
    logvar = x[:, LATENT:]
    # eval mode: z = mean (no reparameterization noise)
    z = mean
    # normalize_model2 == 1 branch
    out = (_l2norm(z, axis=1) @ _l2norm(items, axis=1).T) / TAU
    new_output = out
    var_square = jnp.exp(logvar)
    kl = 0.5 * jnp.mean(jnp.sum(mean ** 2 + var_square - 1.0 - logvar, axis=-1))
    return (z, new_output, kl, batch_input0)

if __name__ == "__main__":
    import jax
    _d = setup_inputs()
    print(jax.jit(kernel)(*tuple(_d.values())))

</pallas_src>

<mosaic_0001>
#map = affine_map<(d0, d1) -> (0, 0)>
#map1 = affine_map<(d0, d1) -> (0)>
module attributes {stable_mosaic.version = 14 : i64} {
  func.func @_sc_gather(%arg0: i32, %arg1: i32, %arg2: memref<8192x8192xf32, #tpu.memory_space<hbm>>, %arg3: memref<1024xi32, #tpu.memory_space<hbm>>, %arg4: memref<1024x8192xf32, #tpu.memory_space<hbm>>, %arg5: memref<32xi32, #tpu.memory_space<vmem>>, %arg6: memref<8x4096xf32, #tpu.memory_space<vmem>>, %arg7: memref<8x4096xf32, #tpu.memory_space<vmem>>, %arg8: memref<8x4096xf32, #tpu.memory_space<vmem>>, %arg9: memref<!tpu.dma_semaphore, #tpu.memory_space<semaphore_mem>>, %arg10: memref<!tpu.dma_semaphore, #tpu.memory_space<semaphore_mem>>, %arg11: memref<!tpu.dma_semaphore, #tpu.memory_space<semaphore_mem>>) attributes {dimension_semantics = [#tpu.dimension_semantics<core_parallel>, #tpu.dimension_semantics<subcore_parallel>], iteration_bounds = array<i64: 2, 16>, scalar_prefetch = 0 : i64, scratch_operands = 7 : i64, tpu.core_type = #tpu.core_type<sc_vector_subcore>, window_params = [{transform_indices = #map}, {transform_indices = #map1}, {transform_indices = #map}]} {
    %mul3A = arith.constant 2 : i32
    %mul3A_0 = arith.muli %arg1, %mul3A : i32
    %add3A = arith.addi %mul3A_0, %arg0 : i32
    %mul3A_1 = arith.constant 32 : i32
    %mul3A_2 = arith.muli %add3A, %mul3A_1 : i32
    "tpu.region"() ({
      %run_scoped3A = tpu.sem_alloc : memref<!tpu.dma_semaphore, #tpu.memory_space<semaphore_mem>>
      %dma_start3A_97 = tpu.memref_slice %arg3[%mul3A_2] : memref<1024xi32, #tpu.memory_space<hbm>> -> memref<32xi32, #tpu.memory_space<hbm>>
      %dma_start3A_98 = tpu.memref_slice %arg3[%mul3A_2] : memref<1024xi32, #tpu.memory_space<hbm>> -> memref<32xi32, #tpu.memory_space<hbm>>
      tpu.enqueue_dma source(%dma_start3A_98 : memref<32xi32, #tpu.memory_space<hbm>>) target(%arg5 : memref<32xi32, #tpu.memory_space<vmem>>) target_semaphore(%run_scoped3A : memref<!tpu.dma_semaphore, #tpu.memory_space<semaphore_mem>>)
      %dma_wait3A_99 = tpu.memref_slice %arg3[%mul3A_2] : memref<1024xi32, #tpu.memory_space<hbm>> -> memref<32xi32, #tpu.memory_space<hbm>>
      %dma_wait3A_100 = tpu.memref_slice %arg3[%mul3A_2] : memref<1024xi32, #tpu.memory_space<hbm>> -> memref<32xi32, #tpu.memory_space<hbm>>
      tpu.wait_dma2 semaphore(%run_scoped3A : memref<!tpu.dma_semaphore, #tpu.memory_space<semaphore_mem>>) src(%dma_wait3A_100 : memref<32xi32, #tpu.memory_space<hbm>>) dst(%arg5 : memref<32xi32, #tpu.memory_space<vmem>>)
      tpu.yield
    }) : () -> ()
    %dma_start3A = arith.constant 0 : i32
    %dma_start3A_3 = tpu.memref_slice %arg5[%dma_start3A] : memref<32xi32, #tpu.memory_space<vmem>> -> memref<8xi32, #tpu.memory_space<vmem>>
    %dma_start3A_4 = arith.constant 0 : i32
    %dma_start3A_5 = arith.constant 0 : i32
    %dma_start3A_6 = tpu.memref_slice %arg2[%dma_start3A_4, %dma_start3A_5] : memref<8192x8192xf32, #tpu.memory_space<hbm>> -> memref<8192x4096xf32, #tpu.memory_space<hbm>>
    tpu.enqueue_indirect_dma source(%dma_start3A_6 : memref<8192x4096xf32, #tpu.memory_space<hbm>>) target(%arg6 : memref<8x4096xf32, #tpu.memory_space<vmem>>) offsets(%dma_start3A_3 : memref<8xi32, #tpu.memory_space<vmem>>) semaphore(%arg9 : memref<!tpu.dma_semaphore, #tpu.memory_space<semaphore_mem>>)
    %dma_start3A_7 = arith.constant 0 : i32
    %dma_start3A_8 = tpu.memref_slice %arg5[%dma_start3A_7] : memref<32xi32, #tpu.memory_space<vmem>> -> memref<8xi32, #tpu.memory_space<vmem>>
    %dma_start3A_9 = arith.constant 0 : i32
    %dma_start3A_10 = arith.constant 4096 : i32
    %dma_start3A_11 = tpu.memref_slice %arg2[%dma_start3A_9, %dma_start3A_10] : memref<8192x8192xf32, #tpu.memory_space<hbm>> -> memref<8192x4096xf32, #tpu.memory_space<hbm>>
    tpu.enqueue_indirect_dma source(%dma_start3A_11 : memref<8192x4096xf32, #tpu.memory_space<hbm>>) target(%arg7 : memref<8x4096xf32, #tpu.memory_space<vmem>>) offsets(%dma_start3A_8 : memref<8xi32, #tpu.memory_space<vmem>>) semaphore(%arg10 : memref<!tpu.dma_semaphore, #tpu.memory_space<semaphore_mem>>)
    %dma_start3A_12 = arith.constant 8 : i32
    %dma_start3A_13 = tpu.memref_slice %arg5[%dma_start3A_12] : memref<32xi32, #tpu.memory_space<vmem>> -> memref<8xi32, #tpu.memory_space<vmem>>
    %dma_start3A_14 = arith.constant 0 : i32
    %dma_start3A_15 = arith.constant 0 : i32
    %dma_start3A_16 = tpu.memref_slice %arg2[%dma_start3A_14, %dma_start3A_15] : memref<8192x8192xf32, #tpu.memory_space<hbm>> -> memref<8192x4096xf32, #tpu.memory_space<hbm>>
    tpu.enqueue_indirect_dma source(%dma_start3A_16 : memref<8192x4096xf32, #tpu.memory_space<hbm>>) target(%arg8 : memref<8x4096xf32, #tpu.memory_space<vmem>>) offsets(%dma_start3A_13 : memref<8xi32, #tpu.memory_space<vmem>>) semaphore(%arg11 : memref<!tpu.dma_semaphore, #tpu.memory_space<semaphore_mem>>)
    %dma_wait3A = arith.constant 0 : i32
    %dma_wait3A_17 = tpu.memref_slice %arg5[%dma_wait3A] : memref<32xi32, #tpu.memory_space<vmem>> -> memref<8xi32, #tpu.memory_space<vmem>>
    %dma_wait3A_18 = arith.constant 0 : i32
    %dma_wait3A_19 = arith.constant 0 : i32
    %dma_wait3A_20 = tpu.memref_slice %arg2[%dma_wait3A_18, %dma_wait3A_19] : memref<8192x8192xf32, #tpu.memory_space<hbm>> -> memref<8192x4096xf32, #tpu.memory_space<hbm>>
    tpu.wait_indirect_dma semaphore(%arg9 : memref<!tpu.dma_semaphore, #tpu.memory_space<semaphore_mem>>) src(%dma_wait3A_20 : memref<8192x4096xf32, #tpu.memory_space<hbm>>) dst(%arg6 : memref<8x4096xf32, #tpu.memory_space<vmem>>)
    %add3A_21 = arith.constant 0 : i32
    %add3A_22 = arith.addi %mul3A_2, %add3A_21 : i32
    "tpu.region"() ({
      %run_scoped3A = tpu.sem_alloc : memref<!tpu.dma_semaphore, #tpu.memory_space<semaphore_mem>>
      %dma_start3A_97 = arith.constant 0 : i32
      %dma_start3A_98 = tpu.memref_slice %arg4[%add3A_22, %dma_start3A_97] : memref<1024x8192xf32, #tpu.memory_space<hbm>> -> memref<8x4096xf32, #tpu.memory_space<hbm>>
      %dma_start3A_99 = arith.constant 0 : i32
      %dma_start3A_100 = tpu.memref_slice %arg4[%add3A_22, %dma_start3A_99] : memref<1024x8192xf32, #tpu.memory_space<hbm>> -> memref<8x4096xf32, #tpu.memory_space<hbm>>
      tpu.enqueue_dma source(%arg6 : memref<8x4096xf32, #tpu.memory_space<vmem>>) target(%dma_start3A_100 : memref<8x4096xf32, #tpu.memory_space<hbm>>) target_semaphore(%run_scoped3A : memref<!tpu.dma_semaphore, #tpu.memory_space<semaphore_mem>>)
      %dma_wait3A_101 = arith.constant 0 : i32
      %dma_wait3A_102 = tpu.memref_slice %arg4[%add3A_22, %dma_wait3A_101] : memref<1024x8192xf32, #tpu.memory_space<hbm>> -> memref<8x4096xf32, #tpu.memory_space<hbm>>
      %dma_wait3A_103 = arith.constant 0 : i32
      %dma_wait3A_104 = tpu.memref_slice %arg4[%add3A_22, %dma_wait3A_103] : memref<1024x8192xf32, #tpu.memory_space<hbm>> -> memref<8x4096xf32, #tpu.memory_space<hbm>>
      tpu.wait_dma2 semaphore(%run_scoped3A : memref<!tpu.dma_semaphore, #tpu.memory_space<semaphore_mem>>) src(%arg6 : memref<8x4096xf32, #tpu.memory_space<vmem>>) dst(%dma_wait3A_104 : memref<8x4096xf32, #tpu.memory_space<hbm>>)
      tpu.yield
    }) : () -> ()
    %dma_start3A_23 = arith.constant 8 : i32
    %dma_start3A_24 = tpu.memref_slice %arg5[%dma_start3A_23] : memref<32xi32, #tpu.memory_space<vmem>> -> memref<8xi32, #tpu.memory_space<vmem>>
    %dma_start3A_25 = arith.constant 0 : i32
    %dma_start3A_26 = arith.constant 4096 : i32
    %dma_start3A_27 = tpu.memref_slice %arg2[%dma_start3A_25, %dma_start3A_26] : memref<8192x8192xf32, #tpu.memory_space<hbm>> -> memref<8192x4096xf32, #tpu.memory_space<hbm>>
    tpu.enqueue_indirect_dma source(%dma_start3A_27 : memref<8192x4096xf32, #tpu.memory_space<hbm>>) target(%arg6 : memref<8x4096xf32, #tpu.memory_space<vmem>>) offsets(%dma_start3A_24 : memref<8xi32, #tpu.memory_space<vmem>>) semaphore(%arg9 : memref<!tpu.dma_semaphore, #tpu.memory_space<semaphore_mem>>)
    %dma_wait3A_28 = arith.constant 0 : i32
    %dma_wait3A_29 = tpu.memref_slice %arg5[%dma_wait3A_28] : memref<32xi32, #tpu.memory_space<vmem>> -> memref<8xi32, #tpu.memory_space<vmem>>
    %dma_wait3A_30 = arith.constant 0 : i32
    %dma_wait3A_31 = arith.constant 4096 : i32
    %dma_wait3A_32 = tpu.memref_slice %arg2[%dma_wait3A_30, %dma_wait3A_31] : memref<8192x8192xf32, #tpu.memory_space<hbm>> -> memref<8192x4096xf32, #tpu.memory_space<hbm>>
    tpu.wait_indirect_dma semaphore(%arg10 : memref<!tpu.dma_semaphore, #tpu.memory_space<semaphore_mem>>) src(%dma_wait3A_32 : memref<8192x4096xf32, #tpu.memory_space<hbm>>) dst(%arg7 : memref<8x4096xf32, #tpu.memory_space<vmem>>)
    %add3A_33 = arith.constant 0 : i32
    %add3A_34 = arith.addi %mul3A_2, %add3A_33 : i32
    "tpu.region"() ({
      %run_scoped3A = tpu.sem_alloc : memref<!tpu.dma_semaphore, #tpu.memory_space<semaphore_mem>>
      %dma_start3A_97 = arith.constant 4096 : i32
      %dma_start3A_98 = tpu.memref_slice %arg4[%add3A_34, %dma_start3A_97] : memref<1024x8192xf32, #tpu.memory_space<hbm>> -> memref<8x4096xf32, #tpu.memory_space<hbm>>
      %dma_start3A_99 = arith.constant 4096 : i32
      %dma_start3A_100 = tpu.memref_slice %arg4[%add3A_34, %dma_start3A_99] : memref<1024x8192xf32, #tpu.memory_space<hbm>> -> memref<8x4096xf32, #tpu.memory_space<hbm>>
      tpu.enqueue_dma source(%arg7 : memref<8x4096xf32, #tpu.memory_space<vmem>>) target(%dma_start3A_100 : memref<8x4096xf32, #tpu.memory_space<hbm>>) target_semaphore(%run_scoped3A : memref<!tpu.dma_semaphore, #tpu.memory_space<semaphore_mem>>)
      %dma_wait3A_101 = arith.constant 4096 : i32
      %dma_wait3A_102 = tpu.memref_slice %arg4[%add3A_34, %dma_wait3A_101] : memref<1024x8192xf32, #tpu.memory_space<hbm>> -> memref<8x4096xf32, #tpu.memory_space<hbm>>
      %dma_wait3A_103 = arith.constant 4096 : i32
      %dma_wait3A_104 = tpu.memref_slice %arg4[%add3A_34, %dma_wait3A_103] : memref<1024x8192xf32, #tpu.memory_space<hbm>> -> memref<8x4096xf32, #tpu.memory_space<hbm>>
      tpu.wait_dma2 semaphore(%run_scoped3A : memref<!tpu.dma_semaphore, #tpu.memory_space<semaphore_mem>>) src(%arg7 : memref<8x4096xf32, #tpu.memory_space<vmem>>) dst(%dma_wait3A_104 : memref<8x4096xf32, #tpu.memory_space<hbm>>)
      tpu.yield
    }) : () -> ()
    %dma_start3A_35 = arith.constant 16 : i32
    %dma_start3A_36 = tpu.memref_slice %arg5[%dma_start3A_35] : memref<32xi32, #tpu.memory_space<vmem>> -> memref<8xi32, #tpu.memory_space<vmem>>
    %dma_start3A_37 = arith.constant 0 : i32
    %dma_start3A_38 = arith.constant 0 : i32
    %dma_start3A_39 = tpu.memref_slice %arg2[%dma_start3A_37, %dma_start3A_38] : memref<8192x8192xf32, #tpu.memory_space<hbm>> -> memref<8192x4096xf32, #tpu.memory_space<hbm>>
    tpu.enqueue_indirect_dma source(%dma_start3A_39 : memref<8192x4096xf32, #tpu.memory_space<hbm>>) target(%arg7 : memref<8x4096xf32, #tpu.memory_space<vmem>>) offsets(%dma_start3A_36 : memref<8xi32, #tpu.memory_space<vmem>>) semaphore(%arg10 : memref<!tpu.dma_semaphore, #tpu.memory_space<semaphore_mem>>)
    %dma_wait3A_40 = arith.constant 8 : i32
    %dma_wait3A_41 = tpu.memref_slice %arg5[%dma_wait3A_40] : memref<32xi32, #tpu.memory_space<vmem>> -> memref<8xi32, #tpu.memory_space<vmem>>
    %dma_wait3A_42 = arith.constant 0 : i32
    %dma_wait3A_43 = arith.constant 0 : i32
    %dma_wait3A_44 = tpu.memref_slice %arg2[%dma_wait3A_42, %dma_wait3A_43] : memref<8192x8192xf32, #tpu.memory_space<hbm>> -> memref<8192x4096xf32, #tpu.memory_space<hbm>>
    tpu.wait_indirect_dma semaphore(%arg11 : memref<!tpu.dma_semaphore, #tpu.memory_space<semaphore_mem>>) src(%dma_wait3A_44 : memref<8192x4096xf32, #tpu.memory_space<hbm>>) dst(%arg8 : memref<8x4096xf32, #tpu.memory_space<vmem>>)
    %add3A_45 = arith.constant 8 : i32
    %add3A_46 = arith.addi %mul3A_2, %add3A_45 : i32
    "tpu.region"() ({
      %run_scoped3A = tpu.sem_alloc : memref<!tpu.dma_semaphore, #tpu.memory_space<semaphore_mem>>
      %dma_start3A_97 = arith.constant 0 : i32
      %dma_start3A_98 = tpu.memref_slice %arg4[%add3A_46, %dma_start3A_97] : memref<1024x8192xf32, #tpu.memory_space<hbm>> -> memref<8x4096xf32, #tpu.memory_space<hbm>>
      %dma_start3A_99 = arith.constant 0 : i32
      %dma_start3A_100 = tpu.memref_slice %arg4[%add3A_46, %dma_start3A_99] : memref<1024x8192xf32, #tpu.memory_space<hbm>> -> memref<8x4096xf32, #tpu.memory_space<hbm>>
      tpu.enqueue_dma source(%arg8 : memref<8x4096xf32, #tpu.memory_space<vmem>>) target(%dma_start3A_100 : memref<8x4096xf32, #tpu.memory_space<hbm>>) target_semaphore(%run_scoped3A : memref<!tpu.dma_semaphore, #tpu.memory_space<semaphore_mem>>)
      %dma_wait3A_101 = arith.constant 0 : i32
      %dma_wait3A_102 = tpu.memref_slice %arg4[%add3A_46, %dma_wait3A_101] : memref<1024x8192xf32, #tpu.memory_space<hbm>> -> memref<8x4096xf32, #tpu.memory_space<hbm>>
      %dma_wait3A_103 = arith.constant 0 : i32
      %dma_wait3A_104 = tpu.memref_slice %arg4[%add3A_46, %dma_wait3A_103] : memref<1024x8192xf32, #tpu.memory_space<hbm>> -> memref<8x4096xf32, #tpu.memory_space<hbm>>
      tpu.wait_dma2 semaphore(%run_scoped3A : memref<!tpu.dma_semaphore, #tpu.memory_space<semaphore_mem>>) src(%arg8 : memref<8x4096xf32, #tpu.memory_space<vmem>>) dst(%dma_wait3A_104 : memref<8x4096xf32, #tpu.memory_space<hbm>>)
      tpu.yield
    }) : () -> ()
    %dma_start3A_47 = arith.constant 16 : i32
    %dma_start3A_48 = tpu.memref_slice %arg5[%dma_start3A_47] : memref<32xi32, #tpu.memory_space<vmem>> -> memref<8xi32, #tpu.memory_space<vmem>>
    %dma_start3A_49 = arith.constant 0 : i32
    %dma_start3A_50 = arith.constant 4096 : i32
    %dma_start3A_51 = tpu.memref_slice %arg2[%dma_start3A_49, %dma_start3A_50] : memref<8192x8192xf32, #tpu.memory_space<hbm>> -> memref<8192x4096xf32, #tpu.memory_space<hbm>>
    tpu.enqueue_indirect_dma source(%dma_start3A_51 : memref<8192x4096xf32, #tpu.memory_space<hbm>>) target(%arg8 : memref<8x4096xf32, #tpu.memory_space<vmem>>) offsets(%dma_start3A_48 : memref<8xi32, #tpu.memory_space<vmem>>) semaphore(%arg11 : memref<!tpu.dma_semaphore, #tpu.memory_space<semaphore_mem>>)
    %dma_wait3A_52 = arith.constant 8 : i32
    %dma_wait3A_53 = tpu.memref_slice %arg5[%dma_wait3A_52] : memref<32xi32, #tpu.memory_space<vmem>> -> memref<8xi32, #tpu.memory_space<vmem>>
    %dma_wait3A_54 = arith.constant 0 : i32
    %dma_wait3A_55 = arith.constant 4096 : i32
    %dma_wait3A_56 = tpu.memref_slice %arg2[%dma_wait3A_54, %dma_wait3A_55] : memref<8192x8192xf32, #tpu.memory_space<hbm>> -> memref<8192x4096xf32, #tpu.memory_space<hbm>>
    tpu.wait_indirect_dma semaphore(%arg9 : memref<!tpu.dma_semaphore, #tpu.memory_space<semaphore_mem>>) src(%dma_wait3A_56 : memref<8192x4096xf32, #tpu.memory_space<hbm>>) dst(%arg6 : memref<8x4096xf32, #tpu.memory_space<vmem>>)
    %add3A_57 = arith.constant 8 : i32
    %add3A_58 = arith.addi %mul3A_2, %add3A_57 : i32
    "tpu.region"() ({
      %run_scoped3A = tpu.sem_alloc : memref<!tpu.dma_semaphore, #tpu.memory_space<semaphore_mem>>
      %dma_start3A_97 = arith.constant 4096 : i32
      %dma_start3A_98 = tpu.memref_slice %arg4[%add3A_58, %dma_start3A_97] : memref<1024x8192xf32, #tpu.memory_space<hbm>> -> memref<8x4096xf32, #tpu.memory_space<hbm>>
      %dma_start3A_99 = arith.constant 4096 : i32
      %dma_start3A_100 = tpu.memref_slice %arg4[%add3A_58, %dma_start3A_99] : memref<1024x8192xf32, #tpu.memory_space<hbm>> -> memref<8x4096xf32, #tpu.memory_space<hbm>>
      tpu.enqueue_dma source(%arg6 : memref<8x4096xf32, #tpu.memory_space<vmem>>) target(%dma_start3A_100 : memref<8x4096xf32, #tpu.memory_space<hbm>>) target_semaphore(%run_scoped3A : memref<!tpu.dma_semaphore, #tpu.memory_space<semaphore_mem>>)
      %dma_wait3A_101 = arith.constant 4096 : i32
      %dma_wait3A_102 = tpu.memref_slice %arg4[%add3A_58, %dma_wait3A_101] : memref<1024x8192xf32, #tpu.memory_space<hbm>> -> memref<8x4096xf32, #tpu.memory_space<hbm>>
      %dma_wait3A_103 = arith.constant 4096 : i32
      %dma_wait3A_104 = tpu.memref_slice %arg4[%add3A_58, %dma_wait3A_103] : memref<1024x8192xf32, #tpu.memory_space<hbm>> -> memref<8x4096xf32, #tpu.memory_space<hbm>>
      tpu.wait_dma2 semaphore(%run_scoped3A : memref<!tpu.dma_semaphore, #tpu.memory_space<semaphore_mem>>) src(%arg6 : memref<8x4096xf32, #tpu.memory_space<vmem>>) dst(%dma_wait3A_104 : memref<8x4096xf32, #tpu.memory_space<hbm>>)
      tpu.yield
    }) : () -> ()
    %dma_start3A_59 = arith.constant 24 : i32
    %dma_start3A_60 = tpu.memref_slice %arg5[%dma_start3A_59] : memref<32xi32, #tpu.memory_space<vmem>> -> memref<8xi32, #tpu.memory_space<vmem>>
    %dma_start3A_61 = arith.constant 0 : i32
    %dma_start3A_62 = arith.constant 0 : i32
    %dma_start3A_63 = tpu.memref_slice %arg2[%dma_start3A_61, %dma_start3A_62] : memref<8192x8192xf32, #tpu.memory_space<hbm>> -> memref<8192x4096xf32, #tpu.memory_space<hbm>>
    tpu.enqueue_indirect_dma source(%dma_start3A_63 : memref<8192x4096xf32, #tpu.memory_space<hbm>>) target(%arg6 : memref<8x4096xf32, #tpu.memory_space<vmem>>) offsets(%dma_start3A_60 : memref<8xi32, #tpu.memory_space<vmem>>) semaphore(%arg9 : memref<!tpu.dma_semaphore, #tpu.memory_space<semaphore_mem>>)
    %dma_wait3A_64 = arith.constant 16 : i32
    %dma_wait3A_65 = tpu.memref_slice %arg5[%dma_wait3A_64] : memref<32xi32, #tpu.memory_space<vmem>> -> memref<8xi32, #tpu.memory_space<vmem>>
    %dma_wait3A_66 = arith.constant 0 : i32
    %dma_wait3A_67 = arith.constant 0 : i32
    %dma_wait3A_68 = tpu.memref_slice %arg2[%dma_wait3A_66, %dma_wait3A_67] : memref<8192x8192xf32, #tpu.memory_space<hbm>> -> memref<8192x4096xf32, #tpu.memory_space<hbm>>
    tpu.wait_indirect_dma semaphore(%arg10 : memref<!tpu.dma_semaphore, #tpu.memory_space<semaphore_mem>>) src(%dma_wait3A_68 : memref<8192x4096xf32, #tpu.memory_space<hbm>>) dst(%arg7 : memref<8x4096xf32, #tpu.memory_space<vmem>>)
    %add3A_69 = arith.constant 16 : i32
    %add3A_70 = arith.addi %mul3A_2, %add3A_69 : i32
    "tpu.region"() ({
      %run_scoped3A = tpu.sem_alloc : memref<!tpu.dma_semaphore, #tpu.memory_space<semaphore_mem>>
      %dma_start3A_97 = arith.constant 0 : i32
      %dma_start3A_98 = tpu.memref_slice %arg4[%add3A_70, %dma_start3A_97] : memref<1024x8192xf32, #tpu.memory_space<hbm>> -> memref<8x4096xf32, #tpu.memory_space<hbm>>
      %dma_start3A_99 = arith.constant 0 : i32
      %dma_start3A_100 = tpu.memref_slice %arg4[%add3A_70, %dma_start3A_99] : memref<1024x8192xf32, #tpu.memory_space<hbm>> -> memref<8x4096xf32, #tpu.memory_space<hbm>>
      tpu.enqueue_dma source(%arg7 : memref<8x4096xf32, #tpu.memory_space<vmem>>) target(%dma_start3A_100 : memref<8x4096xf32, #tpu.memory_space<hbm>>) target_semaphore(%run_scoped3A : memref<!tpu.dma_semaphore, #tpu.memory_space<semaphore_mem>>)
      %dma_wait3A_101 = arith.constant 0 : i32
      %dma_wait3A_102 = tpu.memref_slice %arg4[%add3A_70, %dma_wait3A_101] : memref<1024x8192xf32, #tpu.memory_space<hbm>> -> memref<8x4096xf32, #tpu.memory_space<hbm>>
      %dma_wait3A_103 = arith.constant 0 : i32
      %dma_wait3A_104 = tpu.memref_slice %arg4[%add3A_70, %dma_wait3A_103] : memref<1024x8192xf32, #tpu.memory_space<hbm>> -> memref<8x4096xf32, #tpu.memory_space<hbm>>
      tpu.wait_dma2 semaphore(%run_scoped3A : memref<!tpu.dma_semaphore, #tpu.memory_space<semaphore_mem>>) src(%arg7 : memref<8x4096xf32, #tpu.memory_space<vmem>>) dst(%dma_wait3A_104 : memref<8x4096xf32, #tpu.memory_space<hbm>>)
      tpu.yield
    }) : () -> ()
    %dma_start3A_71 = arith.constant 24 : i32
    %dma_start3A_72 = tpu.memref_slice %arg5[%dma_start3A_71] : memref<32xi32, #tpu.memory_space<vmem>> -> memref<8xi32, #tpu.memory_space<vmem>>
    %dma_start3A_73 = arith.constant 0 : i32
    %dma_start3A_74 = arith.constant 4096 : i32
    %dma_start3A_75 = tpu.memref_slice %arg2[%dma_start3A_73, %dma_start3A_74] : memref<8192x8192xf32, #tpu.memory_space<hbm>> -> memref<8192x4096xf32, #tpu.memory_space<hbm>>
    tpu.enqueue_indirect_dma source(%dma_start3A_75 : memref<8192x4096xf32, #tpu.memory_space<hbm>>) target(%arg7 : memref<8x4096xf32, #tpu.memory_space<vmem>>) offsets(%dma_start3A_72 : memref<8xi32, #tpu.memory_space<vmem>>) semaphore(%arg10 : memref<!tpu.dma_semaphore, #tpu.memory_space<semaphore_mem>>)
    %dma_wait3A_76 = arith.constant 16 : i32
    %dma_wait3A_77 = tpu.memref_slice %arg5[%dma_wait3A_76] : memref<32xi32, #tpu.memory_space<vmem>> -> memref<8xi32, #tpu.memory_space<vmem>>
    %dma_wait3A_78 = arith.constant 0 : i32
    %dma_wait3A_79 = arith.constant 4096 : i32
    %dma_wait3A_80 = tpu.memref_slice %arg2[%dma_wait3A_78, %dma_wait3A_79] : memref<8192x8192xf32, #tpu.memory_space<hbm>> -> memref<8192x4096xf32, #tpu.memory_space<hbm>>
    tpu.wait_indirect_dma semaphore(%arg11 : memref<!tpu.dma_semaphore, #tpu.memory_space<semaphore_mem>>) src(%dma_wait3A_80 : memref<8192x4096xf32, #tpu.memory_space<hbm>>) dst(%arg8 : memref<8x4096xf32, #tpu.memory_space<vmem>>)
    %add3A_81 = arith.constant 16 : i32
    %add3A_82 = arith.addi %mul3A_2, %add3A_81 : i32
    "tpu.region"() ({
      %run_scoped3A = tpu.sem_alloc : memref<!tpu.dma_semaphore, #tpu.memory_space<semaphore_mem>>
      %dma_start3A_97 = arith.constant 4096 : i32
      %dma_start3A_98 = tpu.memref_slice %arg4[%add3A_82, %dma_start3A_97] : memref<1024x8192xf32, #tpu.memory_space<hbm>> -> memref<8x4096xf32, #tpu.memory_space<hbm>>
      %dma_start3A_99 = arith.constant 4096 : i32
      %dma_start3A_100 = tpu.memref_slice %arg4[%add3A_82, %dma_start3A_99] : memref<1024x8192xf32, #tpu.memory_space<hbm>> -> memref<8x4096xf32, #tpu.memory_space<hbm>>
      tpu.enqueue_dma source(%arg8 : memref<8x4096xf32, #tpu.memory_space<vmem>>) target(%dma_start3A_100 : memref<8x4096xf32, #tpu.memory_space<hbm>>) target_semaphore(%run_scoped3A : memref<!tpu.dma_semaphore, #tpu.memory_space<semaphore_mem>>)
      %dma_wait3A_101 = arith.constant 4096 : i32
      %dma_wait3A_102 = tpu.memref_slice %arg4[%add3A_82, %dma_wait3A_101] : memref<1024x8192xf32, #tpu.memory_space<hbm>> -> memref<8x4096xf32, #tpu.memory_space<hbm>>
      %dma_wait3A_103 = arith.constant 4096 : i32
      %dma_wait3A_104 = tpu.memref_slice %arg4[%add3A_82, %dma_wait3A_103] : memref<1024x8192xf32, #tpu.memory_space<hbm>> -> memref<8x4096xf32, #tpu.memory_space<hbm>>
      tpu.wait_dma2 semaphore(%run_scoped3A : memref<!tpu.dma_semaphore, #tpu.memory_space<semaphore_mem>>) src(%arg8 : memref<8x4096xf32, #tpu.memory_space<vmem>>) dst(%dma_wait3A_104 : memref<8x4096xf32, #tpu.memory_space<hbm>>)
      tpu.yield
    }) : () -> ()
    %dma_wait3A_83 = arith.constant 24 : i32
    %dma_wait3A_84 = tpu.memref_slice %arg5[%dma_wait3A_83] : memref<32xi32, #tpu.memory_space<vmem>> -> memref<8xi32, #tpu.memory_space<vmem>>
    %dma_wait3A_85 = arith.constant 0 : i32
    %dma_wait3A_86 = arith.constant 0 : i32
    %dma_wait3A_87 = tpu.memref_slice %arg2[%dma_wait3A_85, %dma_wait3A_86] : memref<8192x8192xf32, #tpu.memory_space<hbm>> -> memref<8192x4096xf32, #tpu.memory_space<hbm>>
    tpu.wait_indirect_dma semaphore(%arg9 : memref<!tpu.dma_semaphore, #tpu.memory_space<semaphore_mem>>) src(%dma_wait3A_87 : memref<8192x4096xf32, #tpu.memory_space<hbm>>) dst(%arg6 : memref<8x4096xf32, #tpu.memory_space<vmem>>)
    %add3A_88 = arith.constant 24 : i32
    %add3A_89 = arith.addi %mul3A_2, %add3A_88 : i32
    "tpu.region"() ({
      %run_scoped3A = tpu.sem_alloc : memref<!tpu.dma_semaphore, #tpu.memory_space<semaphore_mem>>
      %dma_start3A_97 = arith.constant 0 : i32
      %dma_start3A_98 = tpu.memref_slice %arg4[%add3A_89, %dma_start3A_97] : memref<1024x8192xf32, #tpu.memory_space<hbm>> -> memref<8x4096xf32, #tpu.memory_space<hbm>>
      %dma_start3A_99 = arith.constant 0 : i32
      %dma_start3A_100 = tpu.memref_slice %arg4[%add3A_89, %dma_start3A_99] : memref<1024x8192xf32, #tpu.memory_space<hbm>> -> memref<8x4096xf32, #tpu.memory_space<hbm>>
      tpu.enqueue_dma source(%arg6 : memref<8x4096xf32, #tpu.memory_space<vmem>>) target(%dma_start3A_100 : memref<8x4096xf32, #tpu.memory_space<hbm>>) target_semaphore(%run_scoped3A : memref<!tpu.dma_semaphore, #tpu.memory_space<semaphore_mem>>)
      %dma_wait3A_101 = arith.constant 0 : i32
      %dma_wait3A_102 = tpu.memref_slice %arg4[%add3A_89, %dma_wait3A_101] : memref<1024x8192xf32, #tpu.memory_space<hbm>> -> memref<8x4096xf32, #tpu.memory_space<hbm>>
      %dma_wait3A_103 = arith.constant 0 : i32
      %dma_wait3A_104 = tpu.memref_slice %arg4[%add3A_89, %dma_wait3A_103] : memref<1024x8192xf32, #tpu.memory_space<hbm>> -> memref<8x4096xf32, #tpu.memory_space<hbm>>
      tpu.wait_dma2 semaphore(%run_scoped3A : memref<!tpu.dma_semaphore, #tpu.memory_space<semaphore_mem>>) src(%arg6 : memref<8x4096xf32, #tpu.memory_space<vmem>>) dst(%dma_wait3A_104 : memref<8x4096xf32, #tpu.memory_space<hbm>>)
      tpu.yield
    }) : () -> ()
    %dma_wait3A_90 = arith.constant 24 : i32
    %dma_wait3A_91 = tpu.memref_slice %arg5[%dma_wait3A_90] : memref<32xi32, #tpu.memory_space<vmem>> -> memref<8xi32, #tpu.memory_space<vmem>>
    %dma_wait3A_92 = arith.constant 0 : i32
    %dma_wait3A_93 = arith.constant 4096 : i32
    %dma_wait3A_94 = tpu.memref_slice %arg2[%dma_wait3A_92, %dma_wait3A_93] : memref<8192x8192xf32, #tpu.memory_space<hbm>> -> memref<8192x4096xf32, #tpu.memory_space<hbm>>
    tpu.wait_indirect_dma semaphore(%arg10 : memref<!tpu.dma_semaphore, #tpu.memory_space<semaphore_mem>>) src(%dma_wait3A_94 : memref<8192x4096xf32, #tpu.memory_space<hbm>>) dst(%arg7 : memref<8x4096xf32, #tpu.memory_space<vmem>>)
    %add3A_95 = arith.constant 24 : i32
    %add3A_96 = arith.addi %mul3A_2, %add3A_95 : i32
    "tpu.region"() ({
      %run_scoped3A = tpu.sem_alloc : memref<!tpu.dma_semaphore, #tpu.memory_space<semaphore_mem>>
      %dma_start3A_97 = arith.constant 4096 : i32
      %dma_start3A_98 = tpu.memref_slice %arg4[%add3A_96, %dma_start3A_97] : memref<1024x8192xf32, #tpu.memory_space<hbm>> -> memref<8x4096xf32, #tpu.memory_space<hbm>>
      %dma_start3A_99 = arith.constant 4096 : i32
      %dma_start3A_100 = tpu.memref_slice %arg4[%add3A_96, %dma_start3A_99] : memref<1024x8192xf32, #tpu.memory_space<hbm>> -> memref<8x4096xf32, #tpu.memory_space<hbm>>
      tpu.enqueue_dma source(%arg7 : memref<8x4096xf32, #tpu.memory_space<vmem>>) target(%dma_start3A_100 : memref<8x4096xf32, #tpu.memory_space<hbm>>) target_semaphore(%run_scoped3A : memref<!tpu.dma_semaphore, #tpu.memory_space<semaphore_mem>>)
      %dma_wait3A_101 = arith.constant 4096 : i32
      %dma_wait3A_102 = tpu.memref_slice %arg4[%add3A_96, %dma_wait3A_101] : memref<1024x8192xf32, #tpu.memory_space<hbm>> -> memref<8x4096xf32, #tpu.memory_space<hbm>>
      %dma_wait3A_103 = arith.constant 4096 : i32
      %dma_wait3A_104 = tpu.memref_slice %arg4[%add3A_96, %dma_wait3A_103] : memref<1024x8192xf32, #tpu.memory_space<hbm>> -> memref<8x4096xf32, #tpu.memory_space<hbm>>
      tpu.wait_dma2 semaphore(%run_scoped3A : memref<!tpu.dma_semaphore, #tpu.memory_space<semaphore_mem>>) src(%arg7 : memref<8x4096xf32, #tpu.memory_space<vmem>>) dst(%dma_wait3A_104 : memref<8x4096xf32, #tpu.memory_space<hbm>>)
      tpu.yield
    }) : () -> ()
    return
  }
}

module attributes {stable_mosaic.version = 14 : i64} {
  func.func @_tc_body(%arg0: i32, %arg1: memref<128x8192xf32, #tpu.memory_space<vmem>>, %arg2: memref<128x8192xf32, #tpu.memory_space<vmem>>, %arg3: memref<600x8192xf32, #tpu.memory_space<vmem>>, %arg4: memref<600x1xf32, #tpu.memory_space<vmem>>, %arg5: memref<200x600xf32, #tpu.memory_space<vmem>>, %arg6: memref<200x600xf32, #tpu.memory_space<vmem>>, %arg7: memref<200x1xf32, #tpu.memory_space<vmem>>, %arg8: memref<200x1xf32, #tpu.memory_space<vmem>>, %arg9: memref<200x8192xf32, #tpu.memory_space<vmem>>, %arg10: memref<128x8192xf32, #tpu.memory_space<vmem>>, %arg11: memref<200x1024xf32, #tpu.memory_space<vmem>>, %arg12: memref<128x8192xf32, #tpu.memory_space<vmem>>, %arg13: memref<1x1xf32, #tpu.memory_space<vmem>>, %arg14: memref<1x8192xf32, #tpu.memory_space<vmem>>) attributes {dimension_semantics = [#tpu.dimension_semantics<arbitrary>], iteration_bounds = array<i64: 8>, scalar_prefetch = 0 : i64, scratch_operands = 1 : i64, tpu.core_type = #tpu.core_type<tc>, window_params = [{transform_indices = @transform_0, window_bounds = array<i64: 128, 8192>}, {transform_indices = @transform_1, window_bounds = array<i64: 128, 8192>}, {pipeline_mode = #tpu.pipeline_mode<synchronous>, transform_indices = @transform_2, window_bounds = array<i64: 600, 8192>}, {pipeline_mode = #tpu.pipeline_mode<synchronous>, transform_indices = @transform_3, window_bounds = array<i64: 600, 1>}, {pipeline_mode = #tpu.pipeline_mode<synchronous>, transform_indices = @transform_4, window_bounds = array<i64: 200, 600>}, {pipeline_mode = #tpu.pipeline_mode<synchronous>, transform_indices = @transform_5, window_bounds = array<i64: 200, 600>}, {pipeline_mode = #tpu.pipeline_mode<synchronous>, transform_indices = @transform_6, window_bounds = array<i64: 200, 1>}, {pipeline_mode = #tpu.pipeline_mode<synchronous>, transform_indices = @transform_7, window_bounds = array<i64: 200, 1>}, {pipeline_mode = #tpu.pipeline_mode<synchronous>, transform_indices = @transform_8, window_bounds = array<i64: 200, 8192>}, {transform_indices = @transform_9, window_bounds = array<i64: 128, 8192>}, {pipeline_mode = #tpu.pipeline_mode<synchronous>, transform_indices = @transform_10, window_bounds = array<i64: 200, 1024>}, {transform_indices = @transform_11, window_bounds = array<i64: 128, 8192>}, {pipeline_mode = #tpu.pipeline_mode<synchronous>, transform_indices = @transform_12, window_bounds = array<i64: 1, 1>}]} {
    %eq3A = arith.constant 0 : i32
    %eq3A_0 = arith.cmpi eq, %arg0, %eq3A : i32
    %convert_element_type3A = arith.extui %eq3A_0 : i1 to i32
    %cond3A = arith.constant 0 : i32
    %cond3A_1 = arith.cmpi ne, %convert_element_type3A, %cond3A : i32
    scf.if %cond3A_1 {
      %get3A_100 = arith.constant 0 : index
      %get3A_101 = arith.constant 0 : index
      %get3A_102 = vector.load %arg9[%get3A_100, %get3A_101] : memref<200x8192xf32, #tpu.memory_space<vmem>>, vector<200x8192xf32>
      %mul3A_103 = arith.mulf %get3A_102, %get3A_102 : vector<200x8192xf32>
      %reduce_sum3A_104 = arith.constant dense<0.000000e+00> : vector<8192xf32>
      %reduce_sum3A_105 = vector.multi_reduction <add>, %mul3A_103, %reduce_sum3A_104 [0] : vector<200x8192xf32> to vector<8192xf32>
      %broadcast_in_dim3A_106 = vector.shape_cast %reduce_sum3A_105 : vector<8192xf32> to vector<1x8192xf32>
      %sqrt3A_107 = math.sqrt %broadcast_in_dim3A_106 : vector<1x8192xf32>
      %max3A_108 = arith.constant 9.99999996E-13 : f32
      %max3A_109 = vector.broadcast %max3A_108 : f32 to vector<1x8192xf32>
      %max3A_110 = arith.maximumf %sqrt3A_107, %max3A_109 : vector<1x8192xf32>
      %div3A_111 = arith.constant 1.000000e+00 : f32
      %div3A_112 = vector.broadcast %div3A_111 : f32 to vector<1x8192xf32>
      %div3A_113 = arith.divf %div3A_112, %max3A_110 : vector<1x8192xf32>
      %swap3A_114 = arith.constant 0 : index
      %swap3A_115 = arith.constant 0 : index
      %swap3A_116 = vector.load %arg14[%swap3A_114, %swap3A_115] : memref<1x8192xf32, #tpu.memory_space<vmem>>, vector<1x8192xf32>
      tpu.vector_store %arg14[%swap3A_114, %swap3A_115], %div3A_113 {strides = array<i32>} : memref<1x8192xf32, #tpu.memory_space<vmem>>, vector<1x8192xf32>,
      %broadcast_in_dim3A_117 = arith.constant 0.000000e+00 : f32
      %broadcast_in_dim3A_118 = vector.broadcast %broadcast_in_dim3A_117 : f32 to vector<1x1xf32>
      %swap3A_119 = arith.constant 0 : index
      %swap3A_120 = arith.constant 0 : index
      %swap3A_121 = vector.load %arg13[%swap3A_119, %swap3A_120] : memref<1x1xf32, #tpu.memory_space<vmem>>, vector<1x1xf32>
      tpu.vector_store %arg13[%swap3A_119, %swap3A_120], %broadcast_in_dim3A_118 {strides = array<i32>} : memref<1x1xf32, #tpu.memory_space<vmem>>, vector<1x1xf32>,
    } else {
    }
    %get3A = arith.constant 0 : index
    %get3A_2 = arith.constant 0 : index
    %get3A_3 = vector.load %arg1[%get3A, %get3A_2] : memref<128x8192xf32, #tpu.memory_space<vmem>>, vector<128x8192xf32>
    %get3A_4 = arith.constant 0 : index
    %get3A_5 = arith.constant 0 : index
    %get3A_6 = vector.load %arg2[%get3A_4, %get3A_5] : memref<128x8192xf32, #tpu.memory_space<vmem>>, vector<128x8192xf32>
    %gt3A = arith.constant 0.000000e+00 : f32
    %gt3A_7 = vector.broadcast %gt3A : f32 to vector<128x8192xf32>
    %gt3A_8 = arith.cmpf ogt, %get3A_6, %gt3A_7 : vector<128x8192xf32>
    %convert_element_type3A_9 = arith.extui %gt3A_8 : vector<128x8192xi1> to vector<128x8192xi32>
    %convert_element_type3A_10 = arith.sitofp %convert_element_type3A_9 : vector<128x8192xi32> to vector<128x8192xf32>
    %mul3A = arith.mulf %get3A_3, %convert_element_type3A_10 : vector<128x8192xf32>
    %mul3A_11 = arith.mulf %mul3A, %mul3A : vector<128x8192xf32>
    %reduce_sum3A = arith.constant dense<0.000000e+00> : vector<128xf32>
    %reduce_sum3A_12 = vector.multi_reduction <add>, %mul3A_11, %reduce_sum3A [1] : vector<128x8192xf32> to vector<128xf32>
    %broadcast_in_dim3A = vector.shape_cast %reduce_sum3A_12 : vector<128xf32> to vector<128x1xf32>
    %sqrt3A = math.sqrt %broadcast_in_dim3A : vector<128x1xf32>
    %max3A = arith.constant 9.99999996E-13 : f32
    %max3A_13 = vector.broadcast %max3A : f32 to vector<128x1xf32>
    %max3A_14 = arith.maximumf %sqrt3A, %max3A_13 : vector<128x1xf32>
    %div3A = arith.constant 1.000000e+00 : f32
    %div3A_15 = vector.broadcast %div3A : f32 to vector<128x1xf32>
    %div3A_16 = arith.divf %div3A_15, %max3A_14 : vector<128x1xf32>
    %mul3A_17 = vector.broadcast %div3A_16 : vector<128x1xf32> to vector<128x8192xf32>
    %mul3A_18 = arith.mulf %mul3A, %mul3A_17 : vector<128x8192xf32>
    %swap3A = arith.constant 0 : index
    %swap3A_19 = arith.constant 0 : index
    %swap3A_20 = vector.load %arg10[%swap3A, %swap3A_19] : memref<128x8192xf32, #tpu.memory_space<vmem>>, vector<128x8192xf32>
    tpu.vector_store %arg10[%swap3A, %swap3A_19], %mul3A_18 {strides = array<i32>} : memref<128x8192xf32, #tpu.memory_space<vmem>>, vector<128x8192xf32>,
    %get3A_21 = arith.constant 0 : index
    %get3A_22 = arith.constant 0 : index
    %get3A_23 = vector.load %arg3[%get3A_21, %get3A_22] : memref<600x8192xf32, #tpu.memory_space<vmem>>, vector<600x8192xf32>
    %dot_general3A = arith.constant dense<0.000000e+00> : vector<600x128xf32>
    %dot_general3A_24 = tpu.matmul %get3A_23, %mul3A_18, %dot_general3A {dimension_numbers = #tpu.dot_dimension_numbers<[1], [1], [0], [0], [0, 0, 1, 0], [], []>, transpose_lhs_hint = false} : vector<600x8192xf32>, vector<128x8192xf32>, vector<600x128xf32> -> vector<600x128xf32>
    %get3A_25 = arith.constant 0 : index
    %get3A_26 = arith.constant 0 : index
    %get3A_27 = vector.load %arg4[%get3A_25, %get3A_26] : memref<600x1xf32, #tpu.memory_space<vmem>>, vector<600x1xf32>
    %add3A = vector.broadcast %get3A_27 : vector<600x1xf32> to vector<600x128xf32>
    %add3A_28 = arith.addf %dot_general3A_24, %add3A : vector<600x128xf32>
    %tanh3A = math.tanh %add3A_28 : vector<600x128xf32>
    %get3A_29 = arith.constant 0 : index
    %get3A_30 = arith.constant 0 : index
    %get3A_31 = vector.load %arg5[%get3A_29, %get3A_30] : memref<200x600xf32, #tpu.memory_space<vmem>>, vector<200x600xf32>
    %dot_general3A_32 = arith.constant dense<0.000000e+00> : vector<200x128xf32>
    %dot_general3A_33 = tpu.matmul %get3A_31, %tanh3A, %dot_general3A_32 {dimension_numbers = #tpu.dot_dimension_numbers<[1], [0], [0], [1], [0, 0, 1, 1], [], []>, transpose_lhs_hint = false} : vector<200x600xf32>, vector<600x128xf32>, vector<200x128xf32> -> vector<200x128xf32>
    %get3A_34 = arith.constant 0 : index
    %get3A_35 = arith.constant 0 : index
    %get3A_36 = vector.load %arg7[%get3A_34, %get3A_35] : memref<200x1xf32, #tpu.memory_space<vmem>>, vector<200x1xf32>
    %add3A_37 = vector.broadcast %get3A_36 : vector<200x1xf32> to vector<200x128xf32>
    %add3A_38 = arith.addf %dot_general3A_33, %add3A_37 : vector<200x128xf32>
    %get3A_39 = arith.constant 0 : index
    %get3A_40 = arith.constant 0 : index
    %get3A_41 = vector.load %arg6[%get3A_39, %get3A_40] : memref<200x600xf32, #tpu.memory_space<vmem>>, vector<200x600xf32>
    %dot_general3A_42 = arith.constant dense<0.000000e+00> : vector<200x128xf32>
    %dot_general3A_43 = tpu.matmul %get3A_41, %tanh3A, %dot_general3A_42 {dimension_numbers = #tpu.dot_dimension_numbers<[1], [0], [0], [1], [0, 0, 1, 1], [], []>, transpose_lhs_hint = false} : vector<200x600xf32>, vector<600x128xf32>, vector<200x128xf32> -> vector<200x128xf32>
    %get3A_44 = arith.constant 0 : index
    %get3A_45 = arith.constant 0 : index
    %get3A_46 = vector.load %arg8[%get3A_44, %get3A_45] : memref<200x1xf32, #tpu.memory_space<vmem>>, vector<200x1xf32>
    %add3A_47 = vector.broadcast %get3A_46 : vector<200x1xf32> to vector<200x128xf32>
    %add3A_48 = arith.addf %dot_general3A_43, %add3A_47 : vector<200x128xf32>
    %mul3A_49 = arith.constant 128 : i32
    %mul3A_50 = arith.muli %arg0, %mul3A_49 : i32
    %swap3A_51 = arith.constant 0 : index
    %swap3A_52 = arith.index_cast %mul3A_50 : i32 to index
    %swap3A_53 = vector.load %arg11[%swap3A_51, %swap3A_52] : memref<200x1024xf32, #tpu.memory_space<vmem>>, vector<200x128xf32>
    tpu.vector_store %arg11[%swap3A_51, %swap3A_52], %add3A_38 {strides = array<i32>} : memref<200x1024xf32, #tpu.memory_space<vmem>>, vector<200x128xf32>,
    %get3A_54 = arith.constant 0 : index
    %get3A_55 = arith.constant 0 : index
    %get3A_56 = vector.load %arg13[%get3A_54, %get3A_55] : memref<1x1xf32, #tpu.memory_space<vmem>>, vector<1x1xf32>
    %mul3A_57 = arith.mulf %add3A_38, %add3A_38 : vector<200x128xf32>
    %exp3A = math.exp %add3A_48 : vector<200x128xf32>
    %add3A_58 = arith.addf %mul3A_57, %exp3A : vector<200x128xf32>
    %sub3A = arith.constant 1.000000e+00 : f32
    %sub3A_59 = vector.broadcast %sub3A : f32 to vector<200x128xf32>
    %sub3A_60 = arith.subf %add3A_58, %sub3A_59 : vector<200x128xf32>
    %sub3A_61 = arith.subf %sub3A_60, %add3A_48 : vector<200x128xf32>
    %reduce_sum3A_62 = vector.shape_cast %sub3A_61 : vector<200x128xf32> to vector<1x200x128xf32>
    %reduce_sum3A_63 = arith.constant dense<0.000000e+00> : vector<1xf32>
    %reduce_sum3A_64 = vector.multi_reduction <add>, %reduce_sum3A_62, %reduce_sum3A_63 [1, 2] : vector<1x200x128xf32> to vector<1xf32>
    %reduce_sum3A_65 = vector.shape_cast %reduce_sum3A_64 : vector<1xf32> to vector<1x1x1xf32>
    %reduce_sum3A_66 = vector.extract %reduce_sum3A_65[0, 0, 0] : f32 from vector<1x1x1xf32>
    %reshape3A = vector.broadcast %reduce_sum3A_66 : f32 to vector<1x1xf32>
    %add3A_67 = arith.addf %get3A_56, %reshape3A : vector<1x1xf32>
    %swap3A_68 = arith.constant 0 : index
    %swap3A_69 = arith.constant 0 : index
    %swap3A_70 = vector.load %arg13[%swap3A_68, %swap3A_69] : memref<1x1xf32, #tpu.memory_space<vmem>>, vector<1x1xf32>
    tpu.vector_store %arg13[%swap3A_68, %swap3A_69], %add3A_67 {strides = array<i32>} : memref<1x1xf32, #tpu.memory_space<vmem>>, vector<1x1xf32>,
    %mul3A_71 = arith.mulf %add3A_38, %add3A_38 : vector<200x128xf32>
    %reduce_sum3A_72 = arith.constant dense<0.000000e+00> : vector<128xf32>
    %reduce_sum3A_73 = vector.multi_reduction <add>, %mul3A_71, %reduce_sum3A_72 [0] : vector<200x128xf32> to vector<128xf32>
    %broadcast_in_dim3A_74 = vector.shape_cast %reduce_sum3A_73 : vector<128xf32> to vector<1x128xf32>
    %sqrt3A_75 = math.sqrt %broadcast_in_dim3A_74 : vector<1x128xf32>
    %max3A_76 = arith.constant 9.99999996E-13 : f32
    %max3A_77 = vector.broadcast %max3A_76 : f32 to vector<1x128xf32>
    %max3A_78 = arith.maximumf %sqrt3A_75, %max3A_77 : vector<1x128xf32>
    %div3A_79 = arith.constant 1.000000e+00 : f32
    %div3A_80 = vector.broadcast %div3A_79 : f32 to vector<1x128xf32>
    %div3A_81 = arith.divf %div3A_80, %max3A_78 : vector<1x128xf32>
    %mul3A_82 = vector.broadcast %div3A_81 : vector<1x128xf32> to vector<200x128xf32>
    %mul3A_83 = arith.mulf %add3A_38, %mul3A_82 : vector<200x128xf32>
    %get3A_84 = arith.constant 0 : index
    %get3A_85 = arith.constant 0 : index
    %get3A_86 = vector.load %arg9[%get3A_84, %get3A_85] : memref<200x8192xf32, #tpu.memory_space<vmem>>, vector<200x8192xf32>
    %dot_general3A_87 = arith.constant dense<0.000000e+00> : vector<128x8192xf32>
    %dot_general3A_88 = tpu.matmul %mul3A_83, %get3A_86, %dot_general3A_87 {dimension_numbers = #tpu.dot_dimension_numbers<[0], [0], [1], [1], [0, 1, 1, 1], [], []>, transpose_lhs_hint = false} : vector<200x128xf32>, vector<200x8192xf32>, vector<128x8192xf32> -> vector<128x8192xf32>
    %get3A_89 = arith.constant 0 : index
    %get3A_90 = arith.constant 0 : index
    %get3A_91 = vector.load %arg14[%get3A_89, %get3A_90] : memref<1x8192xf32, #tpu.memory_space<vmem>>, vector<1x8192xf32>
    %mul3A_92 = vector.broadcast %get3A_91 : vector<1x8192xf32> to vector<128x8192xf32>
    %mul3A_93 = arith.mulf %dot_general3A_88, %mul3A_92 : vector<128x8192xf32>
    %mul3A_94 = arith.constant 5.000000e+00 : f32
    %mul3A_95 = vector.broadcast %mul3A_94 : f32 to vector<128x8192xf32>
    %mul3A_96 = arith.mulf %mul3A_93, %mul3A_95 : vector<128x8192xf32>
    %swap3A_97 = arith.constant 0 : index
    %swap3A_98 = arith.constant 0 : index
    %swap3A_99 = vector.load %arg12[%swap3A_97, %swap3A_98] : memref<128x8192xf32, #tpu.memory_space<vmem>>, vector<128x8192xf32>
    tpu.vector_store %arg12[%swap3A_97, %swap3A_98], %mul3A_96 {strides = array<i32>} : memref<128x8192xf32, #tpu.memory_space<vmem>>, vector<128x8192xf32>,
    return
  }
  func.func @transform_0(%arg0: i32) -> (i32, i32) {
    %c0_i32 = arith.constant 0 : i32
    %c0_i32_0 = arith.constant 0 : i32
    return %arg0, %c0_i32 : i32, i32
  }
  func.func @transform_1(%arg0: i32) -> (i32, i32) {
    %c0_i32 = arith.constant 0 : i32
    %c0_i32_0 = arith.constant 0 : i32
    return %arg0, %c0_i32 : i32, i32
  }
  func.func @transform_2(%arg0: i32) -> (i32, i32) {
    %c0_i32 = arith.constant 0 : i32
    %c0_i32_0 = arith.constant 0 : i32
    %c0_i32_1 = arith.constant 0 : i32
    return %c0_i32, %c0_i32_0 : i32, i32
  }
  func.func @transform_3(%arg0: i32) -> (i32, i32) {
    %c0_i32 = arith.constant 0 : i32
    %c0_i32_0 = arith.constant 0 : i32
    %c0_i32_1 = arith.constant 0 : i32
    return %c0_i32, %c0_i32_0 : i32, i32
  }
  func.func @transform_4(%arg0: i32) -> (i32, i32) {
    %c0_i32 = arith.constant 0 : i32
    %c0_i32_0 = arith.constant 0 : i32
    %c0_i32_1 = arith.constant 0 : i32
    return %c0_i32, %c0_i32_0 : i32, i32
  }
  func.func @transform_5(%arg0: i32) -> (i32, i32) {
    %c0_i32 = arith.constant 0 : i32
    %c0_i32_0 = arith.constant 0 : i32
    %c0_i32_1 = arith.constant 0 : i32
    return %c0_i32, %c0_i32_0 : i32, i32
  }
  func.func @transform_6(%arg0: i32) -> (i32, i32) {
    %c0_i32 = arith.constant 0 : i32
    %c0_i32_0 = arith.constant 0 : i32
    %c0_i32_1 = arith.constant 0 : i32
    return %c0_i32, %c0_i32_0 : i32, i32
  }
  func.func @transform_7(%arg0: i32) -> (i32, i32) {
    %c0_i32 = arith.constant 0 : i32
    %c0_i32_0 = arith.constant 0 : i32
    %c0_i32_1 = arith.constant 0 : i32
    return %c0_i32, %c0_i32_0 : i32, i32
  }
  func.func @transform_8(%arg0: i32) -> (i32, i32) {
    %c0_i32 = arith.constant 0 : i32
    %c0_i32_0 = arith.constant 0 : i32
    %c0_i32_1 = arith.constant 0 : i32
    return %c0_i32, %c0_i32_0 : i32, i32
  }
  func.func @transform_9(%arg0: i32) -> (i32, i32) {
    %c0_i32 = arith.constant 0 : i32
    %c0_i32_0 = arith.constant 0 : i32
    return %arg0, %c0_i32 : i32, i32
  }
  func.func @transform_10(%arg0: i32) -> (i32, i32) {
    %c0_i32 = arith.constant 0 : i32
    %c0_i32_0 = arith.constant 0 : i32
    %c0_i32_1 = arith.constant 0 : i32
    return %c0_i32, %c0_i32_0 : i32, i32
  }
  func.func @transform_11(%arg0: i32) -> (i32, i32) {
    %c0_i32 = arith.constant 0 : i32
    %c0_i32_0 = arith.constant 0 : i32
    return %arg0, %c0_i32 : i32, i32
  }
  func.func @transform_12(%arg0: i32) -> (i32, i32) {
    %c0_i32 = arith.constant 0 : i32
    %c0_i32_0 = arith.constant 0 : i32
    %c0_i32_1 = arith.constant 0 : i32
    return %c0_i32, %c0_i32_0 : i32, i32
  }
}

</mosaic_0001>

<sc_bundles>
// kernel: kernel.4.cloned.1.call-start
scs
__scs_entry_jumppad:
0x0: {  	(pc) =	sbr.rel $0x88, $3  }
0x1: {  	(tag) =	ssettag $0x0;
	lr =	simm.s32 $0x1  }
0x2: {  	[smem:$0x3F99] =	sst lr;
	_ =	strace $0xD0000000  }
0x3: {  	_ = 	snop  }
0x4: {  	_ = 	snop  }
0x5: {  	_ = 	snop  }
0x6: {  	_ = 	snop  }
0x7: {  	_ = 	snop  }
__scs_overlays_trampoline_lowered:
0x8: {  	[smem:$0x3FA8] =	sst s0  }
0x9: {  	[smem:$0x3FA9] =	sst s1  }
0xa: {  	[smem:$0x3FAA] =	sst s2  }
0xb: {  	[smem:$0x3FAB] =	sst s3  }
0xc: {  	[smem:$0x3FAC] =	sst s4  }
0xd: {  	[smem:$0x3FAD] =	sst s5  }
0xe: {  	[smem:$0x3FAE] =	sst s6  }
0xf: {  	[smem:$0x3FAF] =	sst s7  }
0x10: {  	[smem:$0x3FB0] =	sst s8  }
0x11: {  	[smem:$0x3FB1] =	sst s9;
	s0 =	simm.s32 @!p0 $0x0  }
0x12: {  	s1 =	sld [smem:$0x3F97];
	s0 =	simm.s32 @p0 $0x1  }
0x13: {  	[smem:$0x3FB2] =	sst s0;
	s0 =	simm.s32 @!p1 $0x0  }
0x14: {  	s2 =	sld [smem:$0x3F96];
	s0 =	simm.s32 @p1 $0x1  }
0x15: {  	[smem:$0x3FB3] =	sst s0;
	s0 =	simm.s32 @!p2 $0x0  }
0x16: {  	s3 =	sld [smem:$0x3FDB];
	s0 =	simm.s32 @p2 $0x1  }
0x17: {  	s4 =	simm.s32 $0x1BF5;
	[smem:$0x3FB5] =	sst s0  }
0x18: {  	s0 =	sld [smem:$0x3F98];
	_ =	swait.ge [sflag:s4], $0x0  }
0x19: {  	s7 =	sld [smem:$0x3F99]  }
0x1a: {  	s8 =	sadd.s32 $0xFFFFE003, lr  }
0x1b: {  	s9 =	sadd.s32 $0xFFFFFEF7, lr;
	s5 =	simm.s32 $0xFFFFFFFF;
	p2 =	slt.u32 s8, $0xFFFFF086  }
0x1c: {  	p1 =	slt.u32 s9, $0xF7A;
	s5 =	simm.s32 @!p2 $0x0  }
0x1d: {  	s5 =	simm.s32 @p1 $0x1;
	p0 =	seq.s32 s7, s2  }
0x1e: {  	s7 =	smul.u32 @!p0 $0xF7A, s2;
	p2 =	seq.s32 @!p0 s5, $0x0  }
0x1f: {  	s9 =	smul.u32 $0xF7A, s1;
	s8 =	simm.s32 @!p0 $0x1BF5;
	p2 =	por !p2, p0  }
0x20: {  	[sflag:s8] =	ssyncset.s32 @!p0 $0xFFFFF086;
	s6 =	sadd.s32 @!p0 s3, s7;
	s7 =	simm.s32 @!p0 $0x108  }
0x21: {  	s3 =	sadd.s32 s3, s9;
	s6 =	sadd.s32 @!p0 $0x88, s6;
	s7 =	simm.s32 @p2 $0x1082  }
0x22: {  	[simem:s7], [sflag:s8] =	dma.local @!p0 [hbm:s6], $0xF7A  }
0x23: {  	s9 =	sor.u32 $0xD0000000, s2;
	s6 =	simm.s32 $0x108;
	_ =	swait.ge @!p0 [sflag:s8], $0x0  }
0x24: {  	s3 =	sadd.s32 $0x88, s3;
	s6 =	simm.s32 @!p1 $0x1082;
	[sflag:s4] =	ssyncset.s32 $0xFFFFF086  }
0x25: {  	[simem:s6], [sflag:s4] =	dma.local [hbm:s3], $0xF7A  }
0x26: {  	[smem:$0x3F99] =	sst s1;
	(tag) =	ssettag s2;
	_ =	strace s9  }
0x27: {  	s1 =	sld [smem:$0x3FA9]  }
0x28: {  	s2 =	sld [smem:$0x3FAA]  }
0x29: {  	s4 =	sld [smem:$0x3FAC]  }
0x2a: {  	p0 =	seq.s32 s5, $0x0;
	s5 =	sld [smem:$0x3FAD]  }
0x2b: {  	s6 =	sld [smem:$0x3FAE]  }
0x2c: {  	s7 =	sld [smem:$0x3FAF]  }
0x2d: {  	s3 =	simm.s32 $0x108;
	s8 =	sld [smem:$0x3FB0]  }
0x2e: {  	s3 =	simm.s32 @!p0 $0x1082;
	s9 =	sld [smem:$0x3FB1]  }
0x2f: {  	lr =	sadd.s32 s0, s3;
	s0 =	sld [smem:$0x3FA8]  }
0x30: {  	s3 =	sld [smem:$0x3FAB]  }
0x31: {  	[smem:$0x3FB4] =	sst s10  }
0x32: {  	s10 =	sld [smem:$0x3FB2];
	_ =	sdelay $0x3  }
0x33: {  	p0 =	seq.s32 s10, $0x1;
	s10 =	sld [smem:$0x3FB4];
	_ =	sdelay $0x3  }
0x34: {  	[smem:$0x3FB4] =	sst s10  }
0x35: {  	s10 =	sld [smem:$0x3FB3];
	_ =	sdelay $0x3  }
0x36: {  	p1 =	seq.s32 s10, $0x1;
	s10 =	sld [smem:$0x3FB4];
	_ =	sdelay $0x3  }
0x37: {  	[smem:$0x3FB4] =	sst s10  }
0x38: {  	s10 =	sld [smem:$0x3FB5]  }
0x39: {  	_ = 	snop;
	(pc) =	sbr.ind lr, $3  }
0x3a: {  	_ = 	snop  }
0x3b: {  	_ = 	snop  }
0x3c: {  	p2 =	seq.s32 s10, $0x1;
	s10 =	sld [smem:$0x3FB4]  }
0x3d: {  	_ =	shalt  }
0x3e: {  	_ =	shalt  }
0x3f: {  	_ =	shalt  }
0x40: {  	_ =	shalt  }
0x41: {  	_ =	shalt  }
0x42: {  	_ =	shalt  }
0x43: {  	_ =	shalt  }
0x44: {  	_ =	shalt  }
0x45: {  	_ =	shalt  }
0x46: {  	_ =	shalt  }
0x47: {  	_ =	shalt  }
0x48: {  	_ =	shalt  }
0x49: {  	_ =	shalt  }
0x4a: {  	_ =	shalt  }
0x4b: {  	_ =	shalt  }
0x4c: {  	_ =	shalt  }
0x4d: {  	_ =	shalt  }
0x4e: {  	_ =	shalt  }
0x4f: {  	_ =	shalt  }
0x50: {  	_ =	shalt  }
0x51: {  	_ =	shalt  }
0x52: {  	_ =	shalt  }
0x53: {  	_ =	shalt  }
0x54: {  	_ =	shalt  }
0x55: {  	_ =	shalt  }
0x56: {  	_ =	shalt  }
0x57: {  	_ =	shalt  }
0x58: {  	_ =	shalt  }
0x59: {  	_ =	shalt  }
0x5a: {  	_ =	shalt  }
0x5b: {  	_ =	shalt  }
0x5c: {  	_ =	shalt  }
0x5d: {  	_ =	shalt  }
0x5e: {  	_ =	shalt  }
0x5f: {  	_ =	shalt  }
0x60: {  	_ =	shalt  }
0x61: {  	_ =	shalt  }
0x62: {  	_ =	shalt  }
0x63: {  	_ =	shalt  }
0x64: {  	_ =	shalt  }
0x65: {  	_ =	shalt  }
0x66: {  	_ =	shalt  }
0x67: {  	_ =	shalt  }
0x68: {  	_ =	shalt  }
0x69: {  	_ =	shalt  }
0x6a: {  	_ =	shalt  }
0x6b: {  	_ =	shalt  }
0x6c: {  	_ =	shalt  }
0x6d: {  	_ =	shalt  }
0x6e: {  	_ =	shalt  }
0x6f: {  	_ =	shalt  }
0x70: {  	_ =	shalt  }
0x71: {  	_ =	shalt  }
0x72: {  	_ =	shalt  }
0x73: {  	_ =	shalt  }
0x74: {  	_ =	shalt  }
0x75: {  	_ =	shalt  }
0x76: {  	_ =	shalt  }
0x77: {  	_ =	shalt  }
0x78: {  	_ =	shalt  }
0x79: {  	_ =	shalt  }
0x7a: {  	_ =	shalt  }
0x7b: {  	_ =	shalt  }
0x7c: {  	_ =	shalt  }
0x7d: {  	_ =	shalt  }
0x7e: {  	_ =	shalt  }
0x7f: {  	_ =	shalt  }
0x80: {  	_ =	shalt  }
0x81: {  	_ =	shalt  }
0x82: {  	_ =	shalt  }
0x83: {  	_ =	shalt  }
0x84: {  	_ =	shalt  }
0x85: {  	_ =	shalt  }
0x86: {  	_ =	shalt  }
0x87: {  	_ =	shalt  }
.Lfunc_end0:
.L_simem_size_0:
called_computation_lowered:
.L_overlay_start_0:
0x88: {  	s2 =	sld [smem:$0x3FD9]  }
0x89: {  	s3 =	sld [smem:$0x3FFE];
	_ =	sdelay $0x1  }
0x8a: {  	s1 =	srdreg.scid  }
0x8b: {  	s0 =	sand.u32 $0x1, s1  }
0x8c: {  	s17 =	sshll.u32 s0, $0xA;
	s2 =	sadd.s32 s3, s2  }
0x8d: {  	s2 =	sadd.s32 s2, s17  }
0x8e: {  	[smem:$0x3FC0] =	sst s2  }
0x8f: {  	_ = 	snop  }
0x90: {  	s2 =	sld [smem:$0x3FC8]  }
0x91: {  	s18 =	sld [smem:$0x3FC7];
	(tm) =	ssettm $0x1  }
0x92: {  	s4 =	sld [smem:$0x3FFB];
	_ =	sdelay $0x3  }
0x93: {  	_ =	strace s4  }
0x94: {  	s4 =	sld [smem:$0x3FFC];
	_ =	sdelay $0x3  }
0x95: {  	_ =	strace s4  }
0x96: {  	s4 =	sld [smem:$0x3FFD];
	_ =	sdelay $0x3  }
0x97: {  	_ =	strace s4  }
0x98: {  	_ =	strace $0x8FFFFFFF  }
0x99: {  	s19 =	sld [smem:$0x3FDB];
	_ =	sdelay $0x1  }
0x9a: {  	s5 =	simm.s32 $_scs_section_size  }
0x9b: {  	s6 =	simm.s32 $_size__tile_overlayer_lowered;
	s7 =	simm.s32 $_tile_overlayer_lowered  }
0x9c: {  	s22 =	simm.s32 $0x1BFF;
	s21 =	sshll.u32 s7, $0x1;
	s4 =	sadd.s32 s5, s19  }
0x9d: {  	s8 =	simm.s32 $0x0;
	s20 =	sshll.u32 s6, $0x1;
	s6 =	sadd.s32 s21, s4  }
0x9e: {  	[timem:s8], [sflag:s22] =	dma.local [hbm:s6], s20  }
0x9f: {  	_ =	swait.ge [sflag:s22], s20  }
0xa0: {  	s5 =	ssub.s32 $0x0, s20;
	[sflag:s22] =	ssyncset.done $0x0  }
0xa1: {  	[sflag:s22] =	ssyncadd.s32 s5;
	_ =	sdelay $0x1  }
0xa2: {  	s23 =	simm.s32 $0x1B8B  }
0xa3: {  	_ =	swait.ge [sflag:s23], $0x1  }
0xa4: {  	[sflag:s23] =	ssyncset.done $0x0  }
0xa5: {  	s25 =	simm.s32 $0x1B8E;
	s24 =	sld [smem:$0x3FFE];
	[sflag:s23] =	ssyncadd.s32 $0xFFFFFFFF  }
0xa6: {  	s26 =	simm.s32 $execute0_lowered;
	[smem:$0x3FD2] =	sst s25  }
0xa7: {  	s6 =	sshll.u32 s26, $0x1;
	_ =	strace $0x80000046;
	[dreg:$0x1] =	wrdreg $0xFFFFFFFF  }
0xa8: {  	s28 =	simm.s32 $_size_execute0_lowered;
	s4 =	sadd.s32 s4, s6;
	[dreg:$0x0] =	wrdreg $0x0  }
0xa9: {  	s6 =	sshll.u32 s28, $0x1;
	[dreg:$0x2] =	wrdreg s4  }
0xaa: {  	[dreg:$0x3] =	wrdreg s6  }
0xab: {  	[dreg:$0x4] =	wrdreg $0xC0  }
0xac: {  	_ =	task [dreg:s8], $0x5FFFF  }
0xad: {  	[dreg:$0x1] =	wrdreg $0xFFFFFFFF  }
0xae: {  	[dreg:$0x0] =	wrdreg $0x60  }
0xaf: {  	[dreg:$0x2] =	wrdreg s18  }
0xb0: {  	[dreg:$0x3] =	wrdreg s2  }
0xb1: {  	[dreg:$0x4] =	wrdreg s24  }
0xb2: {  	[dreg:$0x5] =	wrdreg $0x9  }
0xb3: {  	_ =	task.clear_ibuf [dreg:s8], $0x6FFFF;
	_ =	strace $0x90000046  }
0xb4: {  	s29 =	simm.s32 $0x9;
	_ =	strace $0x80000048  }
0xb5: {  	_ =	swait.ge [sflag:s29], $0x1  }
0xb6: {  	[sflag:s29] =	ssyncadd.s32 $0xFFFFFFFF  }
0xb7: {  	_ =	strace $0x90000048  }
0xb8: {  	_ =	sfence  }
0xb9: {  	s30 =	sld [smem:$0x0];
	_ =	sdelay $0x2  }
0xba: {  	s31 =	sshll.u32 s1, $0xD;
	s1 =	sshrl.u32 s1, $0x2  }
0xbb: {  	s3 =	sand.u32 $0x4000, s31;
	s1 =	sadd.s32 s1, s30  }
0xbc: {  	s0 =	sor.u32 s3, s0;
	s1 =	sshll.u32 s1, $0x11  }
0xbd: {  	s0 =	sor.u32 s1, s0  }
0xbe: {  	s0 =	sadd.s32 $0x8F2B, s0  }
0xbf: {  	[sflag:s0] =	ssyncadd.remote.s32 $0x1  }
0xc0: {  	_ =	sfence.sel $0xFFFF  }
0xc1: {  	[dreg:$0x0] =	wrdreg $0xFFFFFFFF;
	(pc) =	sbr.abs _section_cstart, $3  }
0xc2: {  	[dreg:$0x1] =	wrdreg $0xFFFFFFFF  }
0xc3: {  	_ =	task.clear_ibuf [dreg:s8], $0x2FFFF;
	_ =	strace $0x9FFFFFFF  }
0xc4: {  	(tm) =	ssettm $0x7FFFFFFF  }
0xc5: {  	_ =	shalt  }
tec
execute0_lowered:
.L_overlay_start_1:
0x0: {  	(tag) =	ssettag $0x1  }
0x1: {  	s6 =	rddreg [dreg:$0x0]  }
0x2: {  	s0 =	rddreg [dreg:$0x1]  }
0x3: {  	s1 =	rddreg [dreg:$0x2];
	s3 =	simm.s32 $0x0  }
0x4: {  	[smem:$0x7FF] =	sst s3;
	s7 =	sadd.s32 $0x100, s6  }
0x5: {  	s8 =	sadd.s32 $0x200, s6;
	_ =	strace $0x80000047;
	[dreg:$0xd] =	wrdreg s7  }
0x6: {  	s9 =	sadd.s32 $0x300, s6;
	[dreg:$0xe] =	wrdreg s8  }
0x7: {  	s10 =	sadd.s32 $0x400, s6;
	[dreg:$0xf] =	wrdreg s9  }
0x8: {  	s11 =	sadd.s32 $0x500, s6;
	[dreg:$0x10] =	wrdreg s10  }
0x9: {  	s12 =	sadd.s32 $0x600, s6;
	[dreg:$0x11] =	wrdreg s11  }
0xa: {  	s13 =	sadd.s32 $0x700, s6;
	[dreg:$0x12] =	wrdreg s12  }
0xb: {  	s2 =	srdreg.scid;
	s14 =	sadd.s32 $0x800, s6;
	[dreg:$0x13] =	wrdreg s13  }
0xc: {  	s4 =	stileid.u32;
	s15 =	sadd.s32 $0x900, s6;
	[dreg:$0x14] =	wrdreg s14  }
0xd: {  	s2 =	sand.u32 $0x1, s2;
	s17 =	sadd.s32 $0xA00, s6;
	[dreg:$0x15] =	wrdreg s15  }
0xe: {  	s4 =	sshll.u32 s4, $0x6;
	s19 =	sadd.s32 $0xB00, s6;
	[dreg:$0x16] =	wrdreg s17  }
0xf: {  	s21 =	sadd.s32 $0xC00, s6;
	s23 =	sadd.s32 $0xD00, s6;
	[dreg:$0x17] =	wrdreg s19  }
0x10: {  	s25 =	sadd.s32 $0xE00, s6;
	s5 =	sshll.u32 s2, $0x5;
	[dreg:$0x18] =	wrdreg s21  }
0x11: {  	s28 =	sadd.s32 $0xF00, s6;
	[dreg:$0x19] =	wrdreg s23;
	s4 =	sor.u32 s5, s4  }
0x12: {  	[dreg:$0x1a] =	wrdreg s25;
	s5 =	sshll.u32 s4, $0xA;
	s4 =	sshrl.u32 s4, $0x3  }
0x13: {  	[dreg:$0x1b] =	wrdreg s28;
	s1 =	sadd.s32 s5, s1;
	s0 =	sadd.s32 s0, s4  }
0x14: {  	[dreg:$0x4] =	wrdreg s0;
	s16 =	sadd.s32 $0x1000, s1  }
0x15: {  	s18 =	sadd.s32 $0x2000, s1;
	[dreg:$0x5] =	wrdreg s16  }
0x16: {  	s20 =	sadd.s32 $0x3000, s1;
	[dreg:$0x6] =	wrdreg s18  }
0x17: {  	s22 =	sadd.s32 $0x4000, s1;
	[dreg:$0x7] =	wrdreg s20  }
0x18: {  	s31 =	simm.s32 $0x4;
	s24 =	sadd.s32 $0x5000, s1;
	[dreg:$0x8] =	wrdreg s22  }
0x19: {  	s2 =	ssub.s32 $0x2, s2;
	s26 =	sadd.s32 $0x6000, s1;
	[dreg:$0x9] =	wrdreg s24  }
0x1a: {  	v0 =	vlaneseq.u32;
	s30 =	sshrl.u32 s2, $0x1;
	s29 =	sadd.s32 $0x7000, s1;
	[dreg:$0xa] =	wrdreg s26  }
0x1b: {  	v1 =	vshrl.u32 v0, $0x3;
	s2 =	ssub.s32 s2, s30;
	s30 =	sadd.s32 $0x8000, s1;
	[dreg:$0xb] =	wrdreg s29  }
0x1c: {  	vm0 =	vmmov $0xffff;
	v0 =	vand.u32 $0x7, v0;
	s19 =	sadd.s32 $0x1000, s6;
	v1 =	vmul.u32 $0x8, v1;
	s0 =	smax.u32 s2, $0x1;
	[dreg:$0xc] =	wrdreg s30  }
.LBB2_1:
0x1d: {  	[dreg:$0x1c] =	wrdreg s0  }
0x1e: {  	s6 =	rddreg [dreg:$0x4]  }
0x1f: {  	[tilespmem:s3], [sflag:$0x4] =	stream.linear.gather [hbm4b:s6+s3], $0x20, $0x38;
	[tilespmem:$0x18080] =	vst v63  }
0x20: {  	_ =	swait.ge [sflag:s31], $0x20  }
0x21: {  	[sflag:s31] =	ssyncset.done $0x0  }
0x22: {  	[sflag:s31] =	ssyncadd.s32 $0xFFFFFFE0  }
0x23: {  	v2 =	vld.msk [tilespmem:$0x0], $0xff;
	_ =	sdelay $0x4  }
0x24: {  	v3 =	vshll.u32 v2, $0x6  }
0x25: {  	v2 =	vand.u32 $0x7, v2;
	v3 =	vand.u32 $0xFFFFFE00, v3  }
0x26: {  	v2 =	vor.u32 v2, v3  }
0x27: {  	v2 =	vperm.xlane v2, v0;
	_ =	sdelay $0x1  }
0x28: {  	v2 =	vadd.s32 v1, v2;
	_ =	sdelay $0x3  }
0x29: {  	s7 =	simm.s32 $0x80;
	s10 =	rddreg [dreg:$0x0]  }
0x2a: {  	[tilespmem:s7], [sflag:$0x1] =	stream.indirect_vreg.gather [hbm4b:s10+s3], $0x80, v2, vm0, $0xb8;
	[tilespmem:$0x18080] =	vst v63  }
0x2b: {  	s8 =	simm.s32 $0x880;
	s29 =	rddreg [dreg:$0xd]  }
0x2c: {  	[tilespmem:s8], [sflag:$0x1] =	stream.indirect_vreg.gather [hbm4b:s29+s3], $0x80, v2, vm0, $0xb8;
	[tilespmem:$0x18080] =	vst v63  }
0x2d: {  	s9 =	simm.s32 $0x1080;
	s30 =	rddreg [dreg:$0xe]  }
0x2e: {  	[tilespmem:s9], [sflag:$0x1] =	stream.indirect_vreg.gather [hbm4b:s30+s3], $0x80, v2, vm0, $0xb8;
	[tilespmem:$0x18080] =	vst v63  }
0x2f: {  	s1 =	simm.s32 $0x1880;
	s15 =	rddreg [dreg:$0xf]  }
0x30: {  	[tilespmem:s1], [sflag:$0x1] =	stream.indirect_vreg.gather [hbm4b:s15+s3], $0x80, v2, vm0, $0xb8;
	[tilespmem:$0x18080] =	vst v63  }
0x31: {  	s12 =	simm.s32 $0x2080;
	s11 =	rddreg [dreg:$0x10]  }
0x32: {  	[tilespmem:s12], [sflag:$0x1] =	stream.indirect_vreg.gather [hbm4b:s11+s3], $0x80, v2, vm0, $0xb8;
	[tilespmem:$0x18080] =	vst v63  }
0x33: {  	s13 =	simm.s32 $0x2880;
	s14 =	smov.u32 s11;
	s11 =	rddreg [dreg:$0x11]  }
0x34: {  	[tilespmem:s13], [sflag:$0x1] =	stream.indirect_vreg.gather [hbm4b:s11+s3], $0x80, v2, vm0, $0xb8;
	[tilespmem:$0x18080] =	vst v63  }
0x35: {  	s16 =	simm.s32 $0x3080;
	s6 =	rddreg [dreg:$0x12]  }
0x36: {  	[tilespmem:s16], [sflag:$0x1] =	stream.indirect_vreg.gather [hbm4b:s6+s3], $0x80, v2, vm0, $0xb8;
	[tilespmem:$0x18080] =	vst v63  }
0x37: {  	s17 =	simm.s32 $0x3880;
	s18 =	rddreg [dreg:$0x13]  }
0x38: {  	[tilespmem:s17], [sflag:$0x1] =	stream.indirect_vreg.gather [hbm4b:s18+s3], $0x80, v2, vm0, $0xb8;
	[tilespmem:$0x18080] =	vst v63  }
0x39: {  	s20 =	simm.s32 $0x4080;
	s8 =	rddreg [dreg:$0x14]  }
0x3a: {  	[tilespmem:s20], [sflag:$0x1] =	stream.indirect_vreg.gather [hbm4b:s8+s3], $0x80, v2, vm0, $0xb8;
	[tilespmem:$0x18080] =	vst v63  }
0x3b: {  	s22 =	simm.s32 $0x4880;
	s26 =	rddreg [dreg:$0x15]  }
0x3c: {  	[tilespmem:s22], [sflag:$0x1] =	stream.indirect_vreg.gather [hbm4b:s26+s3], $0x80, v2, vm0, $0xb8;
	[tilespmem:$0x18080] =	vst v63  }
0x3d: {  	s23 =	simm.s32 $0x5080;
	s28 =	rddreg [dreg:$0x16]  }
0x3e: {  	[tilespmem:s23], [sflag:$0x1] =	stream.indirect_vreg.gather [hbm4b:s28+s3], $0x80, v2, vm0, $0xb8;
	[tilespmem:$0x18080] =	vst v63  }
0x3f: {  	s25 =	simm.s32 $0x5880;
	s24 =	rddreg [dreg:$0x17]  }
0x40: {  	[tilespmem:s25], [sflag:$0x1] =	stream.indirect_vreg.gather [hbm4b:s24+s3], $0x80, v2, vm0, $0xb8;
	[tilespmem:$0x18080] =	vst v63  }
0x41: {  	s1 =	simm.s32 $0x6080;
	s16 =	rddreg [dreg:$0x18]  }
0x42: {  	[tilespmem:s1], [sflag:$0x1] =	stream.indirect_vreg.gather [hbm4b:s16+s3], $0x80, v2, vm0, $0xb8;
	[tilespmem:$0x18080] =	vst v63  }
0x43: {  	s2 =	simm.s32 $0x6880;
	s9 =	rddreg [dreg:$0x19]  }
0x44: {  	[tilespmem:s2], [sflag:$0x1] =	stream.indirect_vreg.gather [hbm4b:s9+s3], $0x80, v2, vm0, $0xb8;
	[tilespmem:$0x18080] =	vst v63  }
0x45: {  	s4 =	simm.s32 $0x7080;
	s12 =	rddreg [dreg:$0x1a]  }
0x46: {  	[tilespmem:s4], [sflag:$0x1] =	stream.indirect_vreg.gather [hbm4b:s12+s3], $0x80, v2, vm0, $0xb8;
	[tilespmem:$0x18080] =	vst v63  }
0x47: {  	s5 =	simm.s32 $0x7880;
	s25 =	rddreg [dreg:$0x1b]  }
0x48: {  	[tilespmem:s5], [sflag:$0x1] =	stream.indirect_vreg.gather [hbm4b:s25+s3], $0x80, v2, vm0, $0xb8;
	[tilespmem:$0x18080] =	vst v63  }
0x49: {  	v2 =	vld.msk [tilespmem:$0x0], $0xff;
	_ =	sdelay $0x4  }
0x4a: {  	v3 =	vshll.u32 v2, $0x6  }
0x4b: {  	v2 =	vand.u32 $0x7, v2;
	v3 =	vand.u32 $0xFFFFFE00, v3  }
0x4c: {  	v2 =	vor.u32 v2, v3  }
0x4d: {  	v2 =	vperm.xlane v2, v0;
	_ =	sdelay $0x1  }
0x4e: {  	v2 =	vadd.s32 v1, v2;
	_ =	sdelay $0x3  }
0x4f: {  	s7 =	simm.s32 $0x8080  }
0x50: {  	[tilespmem:s7], [sflag:$0x2] =	stream.indirect_vreg.gather [hbm4b:s19+s3], $0x80, v2, vm0, $0xb8;
	[tilespmem:$0x18080] =	vst v63  }
0x51: {  	s17 =	simm.s32 $0x8880;
	s2 =	sadd.s32 $0x100, s19  }
0x52: {  	[tilespmem:s17], [sflag:$0x2] =	stream.indirect_vreg.gather [hbm4b:s2+s3], $0x80, v2, vm0, $0xb8;
	[tilespmem:$0x18080] =	vst v63  }
0x53: {  	s20 =	sadd.s32 $0x200, s19;
	s22 =	simm.s32 $0x9080  }
0x54: {  	[tilespmem:s22], [sflag:$0x2] =	stream.indirect_vreg.gather [hbm4b:s20+s3], $0x80, v2, vm0, $0xb8;
	[tilespmem:$0x18080] =	vst v63  }
0x55: {  	s13 =	smov.u32 s24;
	s23 =	sadd.s32 $0x300, s19;
	s24 =	simm.s32 $0x9880  }
0x56: {  	[tilespmem:s24], [sflag:$0x2] =	stream.indirect_vreg.gather [hbm4b:s23+s3], $0x80, v2, vm0, $0xb8;
	[tilespmem:$0x18080] =	vst v63  }
0x57: {  	s0 =	simm.s32 $0xA080;
	s4 =	sadd.s32 $0x400, s19  }
0x58: {  	[tilespmem:s0], [sflag:$0x2] =	stream.indirect_vreg.gather [hbm4b:s4+s3], $0x80, v2, vm0, $0xb8;
	[tilespmem:$0x18080] =	vst v63  }
0x59: {  	s5 =	sadd.s32 $0x500, s19;
	s7 =	simm.s32 $0xA880  }
0x5a: {  	[tilespmem:s7], [sflag:$0x2] =	stream.indirect_vreg.gather [hbm4b:s5+s3], $0x80, v2, vm0, $0xb8;
	[tilespmem:$0x18080] =	vst v63  }
0x5b: {  	[smem:$0x7F8] =	sst s20;
	s17 =	sadd.s32 $0x600, s19;
	s20 =	simm.s32 $0xB080  }
0x5c: {  	[tilespmem:s20], [sflag:$0x2] =	stream.indirect_vreg.gather [hbm4b:s17+s3], $0x80, v2, vm0, $0xb8;
	[tilespmem:$0x18080] =	vst v63  }
0x5d: {  	[smem:$0x7FA] =	sst s5;
	s22 =	simm.s32 $0xB880;
	s5 =	sadd.s32 $0x700, s19  }
0x5e: {  	[tilespmem:s22], [sflag:$0x2] =	stream.indirect_vreg.gather [hbm4b:s5+s3], $0x80, v2, vm0, $0xb8;
	[tilespmem:$0x18080] =	vst v63  }
0x5f: {  	[smem:$0x7F9] =	sst s23;
	s23 =	sadd.s32 $0x800, s19;
	s24 =	simm.s32 $0xC080  }
0x60: {  	[tilespmem:s24], [sflag:$0x2] =	stream.indirect_vreg.gather [hbm4b:s23+s3], $0x80, v2, vm0, $0xb8;
	[tilespmem:$0x18080] =	vst v63  }
0x61: {  	s1 =	sadd.s32 $0x900, s19;
	s7 =	simm.s32 $0xC880  }
0x62: {  	[tilespmem:s7], [sflag:$0x2] =	stream.indirect_vreg.gather [hbm4b:s1+s3], $0x80, v2, vm0, $0xb8;
	[tilespmem:$0x18080] =	vst v63  }
0x63: {  	[smem:$0x7FB] =	sst s17;
	s17 =	simm.s32 $0xD080;
	s7 =	sadd.s32 $0xA00, s19  }
0x64: {  	[tilespmem:s17], [sflag:$0x2] =	stream.indirect_vreg.gather [hbm4b:s7+s3], $0x80, v2, vm0, $0xb8;
	[tilespmem:$0x18080] =	vst v63  }
0x65: {  	s20 =	simm.s32 $0xD880;
	s24 =	sadd.s32 $0xB00, s19  }
0x66: {  	[tilespmem:s20], [sflag:$0x2] =	stream.indirect_vreg.gather [hbm4b:s24+s3], $0x80, v2, vm0, $0xb8;
	[tilespmem:$0x18080] =	vst v63  }
0x67: {  	[dreg:$0x1f] =	wrdreg s23;
	s22 =	simm.s32 $0xE080;
	s23 =	sadd.s32 $0xC00, s19  }
0x68: {  	[tilespmem:s22], [sflag:$0x2] =	stream.indirect_vreg.gather [hbm4b:s23+s3], $0x80, v2, vm0, $0xb8;
	[tilespmem:$0x18080] =	vst v63  }
0x69: {  	[dreg:$0x1e] =	wrdreg s1;
	s1 =	simm.s32 $0xE880;
	s22 =	sadd.s32 $0xD00, s19  }
0x6a: {  	[tilespmem:s1], [sflag:$0x2] =	stream.indirect_vreg.gather [hbm4b:s22+s3], $0x80, v2, vm0, $0xb8;
	[tilespmem:$0x18080] =	vst v63  }
0x6b: {  	s17 =	simm.s32 $0xF080;
	s20 =	sadd.s32 $0xE00, s19  }
0x6c: {  	[tilespmem:s17], [sflag:$0x2] =	stream.indirect_vreg.gather [hbm4b:s20+s3], $0x80, v2, vm0, $0xb8;
	[tilespmem:$0x18080] =	vst v63  }
0x6d: {  	s1 =	simm.s32 $0xF880;
	s17 =	sadd.s32 $0xF00, s19  }
0x6e: {  	[tilespmem:s1], [sflag:$0x2] =	stream.indirect_vreg.gather [hbm4b:s17+s3], $0x80, v2, vm0, $0xb8;
	[tilespmem:$0x18080] =	vst v63  }
0x6f: {  	v2 =	vld.msk [tilespmem:$0x8], $0xff;
	_ =	sdelay $0x4  }
0x70: {  	v3 =	vshll.u32 v2, $0x6  }
0x71: {  	v2 =	vand.u32 $0x7, v2;
	v3 =	vand.u32 $0xFFFFFE00, v3  }
0x72: {  	v2 =	vor.u32 v2, v3  }
0x73: {  	v2 =	vperm.xlane v2, v0;
	_ =	sdelay $0x1  }
0x74: {  	v2 =	vadd.s32 v1, v2;
	_ =	sdelay $0x3  }
0x75: {  	s1 =	simm.s32 $0x10080  }
0x76: {  	[tilespmem:s1], [sflag:$0x3] =	stream.indirect_vreg.gather [hbm4b:s10+s3], $0x80, v2, vm0, $0xb8;
	[tilespmem:$0x18080] =	vst v63  }
0x77: {  	s10 =	simm.s32 $0x10880  }
0x78: {  	[tilespmem:s10], [sflag:$0x3] =	stream.indirect_vreg.gather [hbm4b:s29+s3], $0x80, v2, vm0, $0xb8;
	[tilespmem:$0x18080] =	vst v63  }
0x79: {  	s1 =	simm.s32 $0x11080  }
0x7a: {  	[tilespmem:s1], [sflag:$0x3] =	stream.indirect_vreg.gather [hbm4b:s30+s3], $0x80, v2, vm0, $0xb8;
	[tilespmem:$0x18080] =	vst v63  }
0x7b: {  	s10 =	simm.s32 $0x11880  }
0x7c: {  	[tilespmem:s10], [sflag:$0x3] =	stream.indirect_vreg.gather [hbm4b:s15+s3], $0x80, v2, vm0, $0xb8;
	[tilespmem:$0x18080] =	vst v63  }
0x7d: {  	s1 =	simm.s32 $0x12080  }
0x7e: {  	[tilespmem:s1], [sflag:$0x3] =	stream.indirect_vreg.gather [hbm4b:s14+s3], $0x80, v2, vm0, $0xb8;
	[tilespmem:$0x18080] =	vst v63  }
0x7f: {  	s10 =	simm.s32 $0x12880  }
0x80: {  	[tilespmem:s10], [sflag:$0x3] =	stream.indirect_vreg.gather [hbm4b:s11+s3], $0x80, v2, vm0, $0xb8;
	[tilespmem:$0x18080] =	vst v63  }
0x81: {  	s14 =	smov.u32 s11;
	s11 =	simm.s32 $0x13080  }
0x82: {  	[tilespmem:s11], [sflag:$0x3] =	stream.indirect_vreg.gather [hbm4b:s6+s3], $0x80, v2, vm0, $0xb8;
	[tilespmem:$0x18080] =	vst v63  }
0x83: {  	s1 =	simm.s32 $0x13880  }
0x84: {  	[tilespmem:s1], [sflag:$0x3] =	stream.indirect_vreg.gather [hbm4b:s18+s3], $0x80, v2, vm0, $0xb8;
	[tilespmem:$0x18080] =	vst v63  }
0x85: {  	s6 =	simm.s32 $0x14080  }
0x86: {  	[tilespmem:s6], [sflag:$0x3] =	stream.indirect_vreg.gather [hbm4b:s8+s3], $0x80, v2, vm0, $0xb8;
	[tilespmem:$0x18080] =	vst v63  }
0x87: {  	s10 =	simm.s32 $0x14880  }
0x88: {  	[tilespmem:s10], [sflag:$0x3] =	stream.indirect_vreg.gather [hbm4b:s26+s3], $0x80, v2, vm0, $0xb8;
	[tilespmem:$0x18080] =	vst v63  }
0x89: {  	s11 =	simm.s32 $0x15080  }
0x8a: {  	[tilespmem:s11], [sflag:$0x3] =	stream.indirect_vreg.gather [hbm4b:s28+s3], $0x80, v2, vm0, $0xb8;
	[tilespmem:$0x18080] =	vst v63  }
0x8b: {  	s1 =	simm.s32 $0x15880  }
0x8c: {  	[tilespmem:s1], [sflag:$0x3] =	stream.indirect_vreg.gather [hbm4b:s13+s3], $0x80, v2, vm0, $0xb8;
	[tilespmem:$0x18080] =	vst v63  }
0x8d: {  	s6 =	simm.s32 $0x16080  }
0x8e: {  	[tilespmem:s6], [sflag:$0x3] =	stream.indirect_vreg.gather [hbm4b:s16+s3], $0x80, v2, vm0, $0xb8;
	[tilespmem:$0x18080] =	vst v63  }
0x8f: {  	s8 =	simm.s32 $0x16880  }
0x90: {  	[tilespmem:s8], [sflag:$0x3] =	stream.indirect_vreg.gather [hbm4b:s9+s3], $0x80, v2, vm0, $0xb8;
	[tilespmem:$0x18080] =	vst v63  }
0x91: {  	s11 =	simm.s32 $0x17080  }
0x92: {  	[tilespmem:s11], [sflag:$0x3] =	stream.indirect_vreg.gather [hbm4b:s12+s3], $0x80, v2, vm0, $0xb8;
	[tilespmem:$0x18080] =	vst v63  }
0x93: {  	[smem:$0x7FC] =	sst s2;
	s10 =	smov.u32 s13;
	s13 =	simm.s32 $0x17880  }
0x94: {  	[tilespmem:s13], [sflag:$0x3] =	stream.indirect_vreg.gather [hbm4b:s25+s3], $0x80, v2, vm0, $0xb8;
	[tilespmem:$0x18080] =	vst v63  }
0x95: {  	[smem:$0x7FD] =	sst s7;
	s13 =	simm.s32 $0x1  }
0x96: {  	_ =	swait.ge [sflag:s13], $0x8000  }
0x97: {  	[sflag:s13] =	ssyncset.done $0x0  }
0x98: {  	s6 =	simm.s32 $0x80;
	s1 =	rddreg [dreg:$0x5];
	[sflag:s13] =	ssyncadd.s32 $0xFFFF8000  }
0x99: {  	[hbm4b:s1+s3] =	stream.linear.scatter [tilespmem:s6], [sflag:$0x4], $0x8000, $0x38;
	[tilespmem:$0x18080] =	vst v63  }
0x9a: {  	_ =	swait.ge [sflag:s31], $0x8000  }
0x9b: {  	[sflag:s31] =	ssyncset.done $0x0  }
0x9c: {  	[sflag:s31] =	ssyncadd.s32 $0xFFFF8000  }
0x9d: {  	v2 =	vld.msk [tilespmem:$0x8], $0xff;
	_ =	sdelay $0x4  }
0x9e: {  	v3 =	vshll.u32 v2, $0x6  }
0x9f: {  	v2 =	vand.u32 $0x7, v2;
	v3 =	vand.u32 $0xFFFFFE00, v3  }
0xa0: {  	v2 =	vor.u32 v2, v3  }
0xa1: {  	v2 =	vperm.xlane v2, v0;
	_ =	sdelay $0x1  }
0xa2: {  	v2 =	vadd.s32 v1, v2;
	_ =	sdelay $0x4  }
0xa3: {  	[tilespmem:s6], [sflag:$0x1] =	stream.indirect_vreg.gather [hbm4b:s19+s3], $0x80, v2, vm0, $0xb8;
	[tilespmem:$0x18080] =	vst v63  }
0xa4: {  	s8 =	simm.s32 $0x880;
	s0 =	sld [smem:$0x7F8]  }
0xa5: {  	[tilespmem:s8], [sflag:$0x1] =	stream.indirect_vreg.gather [hbm4b:s2+s3], $0x80, v2, vm0, $0xb8;
	[tilespmem:$0x18080] =	vst v63  }
0xa6: {  	s9 =	simm.s32 $0x1080;
	s1 =	sld [smem:$0x7F9]  }
0xa7: {  	[tilespmem:s9], [sflag:$0x1] =	stream.indirect_vreg.gather [hbm4b:s0+s3], $0x80, v2, vm0, $0xb8;
	[tilespmem:$0x18080] =	vst v63  }
0xa8: {  	s11 =	simm.s32 $0x1880  }
0xa9: {  	[tilespmem:s11], [sflag:$0x1] =	stream.indirect_vreg.gather [hbm4b:s1+s3], $0x80, v2, vm0, $0xb8;
	[tilespmem:$0x18080] =	vst v63  }
0xaa: {  	s21 =	simm.s32 $0x2080  }
0xab: {  	[tilespmem:s21], [sflag:$0x1] =	stream.indirect_vreg.gather [hbm4b:s4+s3], $0x80, v2, vm0, $0xb8;
	[tilespmem:$0x18080] =	vst v63  }
0xac: {  	s21 =	sld [smem:$0x7FA];
	_ =	sdelay $0x1  }
0xad: {  	s6 =	simm.s32 $0x2880;
	s8 =	smov.u32 s4;
	s4 =	sld [smem:$0x7FB]  }
0xae: {  	[tilespmem:s6], [sflag:$0x1] =	stream.indirect_vreg.gather [hbm4b:s21+s3], $0x80, v2, vm0, $0xb8;
	[tilespmem:$0x18080] =	vst v63  }
0xaf: {  	s9 =	simm.s32 $0x3080  }
0xb0: {  	[tilespmem:s9], [sflag:$0x1] =	stream.indirect_vreg.gather [hbm4b:s4+s3], $0x80, v2, vm0, $0xb8;
	[tilespmem:$0x18080] =	vst v63  }
0xb1: {  	s11 =	simm.s32 $0x3880  }
0xb2: {  	[tilespmem:s11], [sflag:$0x1] =	stream.indirect_vreg.gather [hbm4b:s5+s3], $0x80, v2, vm0, $0xb8;
	[tilespmem:$0x18080] =	vst v63  }
0xb3: {  	s6 =	simm.s32 $0x4080;
	s11 =	smov.u32 s5;
	s5 =	rddreg [dreg:$0x1f]  }
0xb4: {  	[tilespmem:s6], [sflag:$0x1] =	stream.indirect_vreg.gather [hbm4b:s5+s3], $0x80, v2, vm0, $0xb8;
	[tilespmem:$0x18080] =	vst v63  }
0xb5: {  	s9 =	simm.s32 $0x4880;
	s6 =	rddreg [dreg:$0x1e]  }
0xb6: {  	[tilespmem:s9], [sflag:$0x1] =	stream.indirect_vreg.gather [hbm4b:s6+s3], $0x80, v2, vm0, $0xb8;
	[tilespmem:$0x18080] =	vst v63  }
0xb7: {  	s9 =	simm.s32 $0x5080  }
0xb8: {  	[tilespmem:s9], [sflag:$0x1] =	stream.indirect_vreg.gather [hbm4b:s7+s3], $0x80, v2, vm0, $0xb8;
	[tilespmem:$0x18080] =	vst v63  }
0xb9: {  	s7 =	simm.s32 $0x5880  }
0xba: {  	[tilespmem:s7], [sflag:$0x1] =	stream.indirect_vreg.gather [hbm4b:s24+s3], $0x80, v2, vm0, $0xb8;
	[tilespmem:$0x18080] =	vst v63  }
0xbb: {  	s9 =	simm.s32 $0x6080  }
0xbc: {  	[tilespmem:s9], [sflag:$0x1] =	stream.indirect_vreg.gather [hbm4b:s23+s3], $0x80, v2, vm0, $0xb8;
	[tilespmem:$0x18080] =	vst v63  }
0xbd: {  	s7 =	simm.s32 $0x6880  }
0xbe: {  	[tilespmem:s7], [sflag:$0x1] =	stream.indirect_vreg.gather [hbm4b:s22+s3], $0x80, v2, vm0, $0xb8;
	[tilespmem:$0x18080] =	vst v63  }
0xbf: {  	s9 =	simm.s32 $0x7080  }
0xc0: {  	[tilespmem:s9], [sflag:$0x1] =	stream.indirect_vreg.gather [hbm4b:s20+s3], $0x80, v2, vm0, $0xb8;
	[tilespmem:$0x18080] =	vst v63  }
0xc1: {  	s7 =	simm.s32 $0x7880  }
0xc2: {  	[tilespmem:s7], [sflag:$0x1] =	stream.indirect_vreg.gather [hbm4b:s17+s3], $0x80, v2, vm0, $0xb8;
	[tilespmem:$0x18080] =	vst v63  }
0xc3: {  	[dreg:$0x1d] =	wrdreg s8;
	s7 =	simm.s32 $0x2  }
0xc4: {  	_ =	swait.ge [sflag:s7], $0x8000  }
0xc5: {  	[sflag:s7] =	ssyncset.done $0x0  }
0xc6: {  	s2 =	simm.s32 $0x8080;
	s9 =	rddreg [dreg:$0x6];
	[sflag:s7] =	ssyncadd.s32 $0xFFFF8000  }
0xc7: {  	[hbm4b:s9+s3] =	stream.linear.scatter [tilespmem:s2], [sflag:$0x4], $0x8000, $0x38;
	[tilespmem:$0x18080] =	vst v63  }
0xc8: {  	_ =	swait.ge [sflag:s31], $0x8000  }
0xc9: {  	[sflag:s31] =	ssyncset.done $0x0  }
0xca: {  	[sflag:s31] =	ssyncadd.s32 $0xFFFF8000  }
0xcb: {  	v2 =	vld.msk [tilespmem:$0x10], $0xff;
	_ =	sdelay $0x4  }
0xcc: {  	v3 =	vshll.u32 v2, $0x6  }
0xcd: {  	v2 =	vand.u32 $0x7, v2;
	v3 =	vand.u32 $0xFFFFFE00, v3  }
0xce: {  	v2 =	vor.u32 v2, v3  }
0xcf: {  	v2 =	vperm.xlane v2, v0;
	_ =	sdelay $0x1  }
0xd0: {  	v2 =	vadd.s32 v1, v2;
	_ =	sdelay $0x3  }
0xd1: {  	s9 =	rddreg [dreg:$0x0]  }
0xd2: {  	[tilespmem:s2], [sflag:$0x2] =	stream.indirect_vreg.gather [hbm4b:s9+s3], $0x80, v2, vm0, $0xb8;
	[tilespmem:$0x18080] =	vst v63  }
0xd3: {  	s9 =	simm.s32 $0x8880  }
0xd4: {  	[tilespmem:s9], [sflag:$0x2] =	stream.indirect_vreg.gather [hbm4b:s29+s3], $0x80, v2, vm0, $0xb8;
	[tilespmem:$0x18080] =	vst v63  }
0xd5: {  	s9 =	simm.s32 $0x9080  }
0xd6: {  	[tilespmem:s9], [sflag:$0x2] =	stream.indirect_vreg.gather [hbm4b:s30+s3], $0x80, v2, vm0, $0xb8;
	[tilespmem:$0x18080] =	vst v63  }
0xd7: {  	s9 =	simm.s32 $0x9880  }
0xd8: {  	[tilespmem:s9], [sflag:$0x2] =	stream.indirect_vreg.gather [hbm4b:s15+s3], $0x80, v2, vm0, $0xb8;
	[tilespmem:$0x18080] =	vst v63  }
0xd9: {  	s9 =	simm.s32 $0xA080;
	s15 =	rddreg [dreg:$0x10]  }
0xda: {  	[tilespmem:s9], [sflag:$0x2] =	stream.indirect_vreg.gather [hbm4b:s15+s3], $0x80, v2, vm0, $0xb8;
	[tilespmem:$0x18080] =	vst v63  }
0xdb: {  	s9 =	simm.s32 $0xA880  }
0xdc: {  	[tilespmem:s9], [sflag:$0x2] =	stream.indirect_vreg.gather [hbm4b:s14+s3], $0x80, v2, vm0, $0xb8;
	[tilespmem:$0x18080] =	vst v63  }
0xdd: {  	s9 =	simm.s32 $0xB080;
	s14 =	rddreg [dreg:$0x12]  }
0xde: {  	[tilespmem:s9], [sflag:$0x2] =	stream.indirect_vreg.gather [hbm4b:s14+s3], $0x80, v2, vm0, $0xb8;
	[tilespmem:$0x18080] =	vst v63  }
0xdf: {  	s9 =	simm.s32 $0xB880  }
0xe0: {  	[tilespmem:s9], [sflag:$0x2] =	stream.indirect_vreg.gather [hbm4b:s18+s3], $0x80, v2, vm0, $0xb8;
	[tilespmem:$0x18080] =	vst v63  }
0xe1: {  	s9 =	simm.s32 $0xC080;
	s18 =	rddreg [dreg:$0x14]  }
0xe2: {  	[tilespmem:s9], [sflag:$0x2] =	stream.indirect_vreg.gather [hbm4b:s18+s3], $0x80, v2, vm0, $0xb8;
	[tilespmem:$0x18080] =	vst v63  }
0xe3: {  	s9 =	simm.s32 $0xC880  }
0xe4: {  	[tilespmem:s9], [sflag:$0x2] =	stream.indirect_vreg.gather [hbm4b:s26+s3], $0x80, v2, vm0, $0xb8;
	[tilespmem:$0x18080] =	vst v63  }
0xe5: {  	s9 =	simm.s32 $0xD080  }
0xe6: {  	[tilespmem:s9], [sflag:$0x2] =	stream.indirect_vreg.gather [hbm4b:s28+s3], $0x80, v2, vm0, $0xb8;
	[tilespmem:$0x18080] =	vst v63  }
0xe7: {  	s9 =	simm.s32 $0xD880  }
0xe8: {  	[tilespmem:s9], [sflag:$0x2] =	stream.indirect_vreg.gather [hbm4b:s10+s3], $0x80, v2, vm0, $0xb8;
	[tilespmem:$0x18080] =	vst v63  }
0xe9: {  	s9 =	simm.s32 $0xE080  }
0xea: {  	[tilespmem:s9], [sflag:$0x2] =	stream.indirect_vreg.gather [hbm4b:s16+s3], $0x80, v2, vm0, $0xb8;
	[tilespmem:$0x18080] =	vst v63  }
0xeb: {  	s10 =	simm.s32 $0xE880;
	s16 =	rddreg [dreg:$0x19]  }
0xec: {  	[tilespmem:s10], [sflag:$0x2] =	stream.indirect_vreg.gather [hbm4b:s16+s3], $0x80, v2, vm0, $0xb8;
	[tilespmem:$0x18080] =	vst v63  }
0xed: {  	s9 =	simm.s32 $0xF080  }
0xee: {  	[tilespmem:s9], [sflag:$0x2] =	stream.indirect_vreg.gather [hbm4b:s12+s3], $0x80, v2, vm0, $0xb8;
	[tilespmem:$0x18080] =	vst v63  }
0xef: {  	s10 =	simm.s32 $0xF880  }
0xf0: {  	[tilespmem:s10], [sflag:$0x2] =	stream.indirect_vreg.gather [hbm4b:s25+s3], $0x80, v2, vm0, $0xb8;
	[tilespmem:$0x18080] =	vst v63  }
0xf1: {  	s10 =	simm.s32 $0x3  }
0xf2: {  	_ =	swait.ge [sflag:s10], $0x8000  }
0xf3: {  	[sflag:s10] =	ssyncset.done $0x0  }
0xf4: {  	s2 =	simm.s32 $0x10080;
	s9 =	rddreg [dreg:$0x7];
	[sflag:s10] =	ssyncadd.s32 $0xFFFF8000  }
0xf5: {  	[hbm4b:s9+s3] =	stream.linear.scatter [tilespmem:s2], [sflag:$0x4], $0x8000, $0x38;
	[tilespmem:$0x18080] =	vst v63  }
0xf6: {  	_ =	swait.ge [sflag:s31], $0x8000  }
0xf7: {  	[sflag:s31] =	ssyncset.done $0x0  }
0xf8: {  	[sflag:s31] =	ssyncadd.s32 $0xFFFF8000  }
0xf9: {  	v2 =	vld.msk [tilespmem:$0x10], $0xff;
	_ =	sdelay $0x4  }
0xfa: {  	v3 =	vshll.u32 v2, $0x6  }
0xfb: {  	v2 =	vand.u32 $0x7, v2;
	v3 =	vand.u32 $0xFFFFFE00, v3  }
0xfc: {  	v2 =	vor.u32 v2, v3  }
0xfd: {  	v2 =	vperm.xlane v2, v0;
	_ =	sdelay $0x1  }
0xfe: {  	v2 =	vadd.s32 v1, v2;
	_ =	sdelay $0x4  }
0xff: {  	[tilespmem:s2], [sflag:$0x3] =	stream.indirect_vreg.gather [hbm4b:s19+s3], $0x80, v2, vm0, $0xb8;
	[tilespmem:$0x18080] =	vst v63  }
0x100: {  	s2 =	sld [smem:$0x7FC];
	_ =	sdelay $0x1  }
0x101: {  	s9 =	simm.s32 $0x10880  }
0x102: {  	[tilespmem:s9], [sflag:$0x3] =	stream.indirect_vreg.gather [hbm4b:s2+s3], $0x80, v2, vm0, $0xb8;
	[tilespmem:$0x18080] =	vst v63  }
0x103: {  	s9 =	simm.s32 $0x11080  }
0x104: {  	[tilespmem:s9], [sflag:$0x3] =	stream.indirect_vreg.gather [hbm4b:s0+s3], $0x80, v2, vm0, $0xb8;
	[tilespmem:$0x18080] =	vst v63  }
0x105: {  	s9 =	simm.s32 $0x11880  }
0x106: {  	[tilespmem:s9], [sflag:$0x3] =	stream.indirect_vreg.gather [hbm4b:s1+s3], $0x80, v2, vm0, $0xb8;
	[tilespmem:$0x18080] =	vst v63  }
0x107: {  	s9 =	simm.s32 $0x12080  }
0x108: {  	[tilespmem:s9], [sflag:$0x3] =	stream.indirect_vreg.gather [hbm4b:s8+s3], $0x80, v2, vm0, $0xb8;
	[tilespmem:$0x18080] =	vst v63  }
0x109: {  	s9 =	simm.s32 $0x12880  }
0x10a: {  	[tilespmem:s9], [sflag:$0x3] =	stream.indirect_vreg.gather [hbm4b:s21+s3], $0x80, v2, vm0, $0xb8;
	[tilespmem:$0x18080] =	vst v63  }
0x10b: {  	s9 =	simm.s32 $0x13080  }
0x10c: {  	[tilespmem:s9], [sflag:$0x3] =	stream.indirect_vreg.gather [hbm4b:s4+s3], $0x80, v2, vm0, $0xb8;
	[tilespmem:$0x18080] =	vst v63  }
0x10d: {  	s9 =	simm.s32 $0x13880  }
0x10e: {  	[tilespmem:s9], [sflag:$0x3] =	stream.indirect_vreg.gather [hbm4b:s11+s3], $0x80, v2, vm0, $0xb8;
	[tilespmem:$0x18080] =	vst v63  }
0x10f: {  	s9 =	simm.s32 $0x14080  }
0x110: {  	[tilespmem:s9], [sflag:$0x3] =	stream.indirect_vreg.gather [hbm4b:s5+s3], $0x80, v2, vm0, $0xb8;
	[tilespmem:$0x18080] =	vst v63  }
0x111: {  	s9 =	simm.s32 $0x14880;
	s5 =	sld [smem:$0x7FD]  }
0x112: {  	[tilespmem:s9], [sflag:$0x3] =	stream.indirect_vreg.gather [hbm4b:s6+s3], $0x80, v2, vm0, $0xb8;
	[tilespmem:$0x18080] =	vst v63  }
0x113: {  	s8 =	simm.s32 $0x15080  }
0x114: {  	[tilespmem:s8], [sflag:$0x3] =	stream.indirect_vreg.gather [hbm4b:s5+s3], $0x80, v2, vm0, $0xb8;
	[tilespmem:$0x18080] =	vst v63  }
0x115: {  	s9 =	simm.s32 $0x15880  }
0x116: {  	[tilespmem:s9], [sflag:$0x3] =	stream.indirect_vreg.gather [hbm4b:s24+s3], $0x80, v2, vm0, $0xb8;
	[tilespmem:$0x18080] =	vst v63  }
0x117: {  	s8 =	simm.s32 $0x16080  }
0x118: {  	[tilespmem:s8], [sflag:$0x3] =	stream.indirect_vreg.gather [hbm4b:s23+s3], $0x80, v2, vm0, $0xb8;
	[tilespmem:$0x18080] =	vst v63  }
0x119: {  	s9 =	simm.s32 $0x16880  }
0x11a: {  	[tilespmem:s9], [sflag:$0x3] =	stream.indirect_vreg.gather [hbm4b:s22+s3], $0x80, v2, vm0, $0xb8;
	[tilespmem:$0x18080] =	vst v63  }
0x11b: {  	s8 =	simm.s32 $0x17080  }
0x11c: {  	[tilespmem:s8], [sflag:$0x3] =	stream.indirect_vreg.gather [hbm4b:s20+s3], $0x80, v2, vm0, $0xb8;
	[tilespmem:$0x18080] =	vst v63  }
0x11d: {  	s9 =	simm.s32 $0x17880  }
0x11e: {  	[tilespmem:s9], [sflag:$0x3] =	stream.indirect_vreg.gather [hbm4b:s17+s3], $0x80, v2, vm0, $0xb8;
	[tilespmem:$0x18080] =	vst v63  }
0x11f: {  	_ =	swait.ge [sflag:s13], $0x8000  }
0x120: {  	[sflag:s13] =	ssyncset.done $0x0  }
0x121: {  	s6 =	simm.s32 $0x80;
	s8 =	rddreg [dreg:$0x8];
	[sflag:s13] =	ssyncadd.s32 $0xFFFF8000  }
0x122: {  	[hbm4b:s8+s3] =	stream.linear.scatter [tilespmem:s6], [sflag:$0x4], $0x8000, $0x38;
	[tilespmem:$0x18080] =	vst v63  }
0x123: {  	_ =	swait.ge [sflag:s31], $0x8000  }
0x124: {  	[sflag:s31] =	ssyncset.done $0x0  }
0x125: {  	[sflag:s31] =	ssyncadd.s32 $0xFFFF8000  }
0x126: {  	v2 =	vld.msk [tilespmem:$0x18], $0xff;
	_ =	sdelay $0x4  }
0x127: {  	v3 =	vshll.u32 v2, $0x6  }
0x128: {  	v2 =	vand.u32 $0x7, v2;
	v3 =	vand.u32 $0xFFFFFE00, v3  }
0x129: {  	v2 =	vor.u32 v2, v3  }
0x12a: {  	v2 =	vperm.xlane v2, v0;
	_ =	sdelay $0x1  }
0x12b: {  	v2 =	vadd.s32 v1, v2;
	_ =	sdelay $0x3  }
0x12c: {  	s8 =	rddreg [dreg:$0x0]  }
0x12d: {  	[tilespmem:s6], [sflag:$0x1] =	stream.indirect_vreg.gather [hbm4b:s8+s3], $0x80, v2, vm0, $0xb8;
	[tilespmem:$0x18080] =	vst v63  }
0x12e: {  	s9 =	simm.s32 $0x880  }
0x12f: {  	[tilespmem:s9], [sflag:$0x1] =	stream.indirect_vreg.gather [hbm4b:s29+s3], $0x80, v2, vm0, $0xb8;
	[tilespmem:$0x18080] =	vst v63  }
0x130: {  	s9 =	simm.s32 $0x1080  }
0x131: {  	[tilespmem:s9], [sflag:$0x1] =	stream.indirect_vreg.gather [hbm4b:s30+s3], $0x80, v2, vm0, $0xb8;
	[tilespmem:$0x18080] =	vst v63  }
0x132: {  	s29 =	simm.s32 $0x1880;
	s30 =	rddreg [dreg:$0xf]  }
0x133: {  	[tilespmem:s29], [sflag:$0x1] =	stream.indirect_vreg.gather [hbm4b:s30+s3], $0x80, v2, vm0, $0xb8;
	[tilespmem:$0x18080] =	vst v63  }
0x134: {  	s9 =	simm.s32 $0x2080  }
0x135: {  	[tilespmem:s9], [sflag:$0x1] =	stream.indirect_vreg.gather [hbm4b:s15+s3], $0x80, v2, vm0, $0xb8;
	[tilespmem:$0x18080] =	vst v63  }
0x136: {  	s29 =	simm.s32 $0x2880;
	s30 =	rddreg [dreg:$0x11]  }
0x137: {  	[tilespmem:s29], [sflag:$0x1] =	stream.indirect_vreg.gather [hbm4b:s30+s3], $0x80, v2, vm0, $0xb8;
	[tilespmem:$0x18080] =	vst v63  }
0x138: {  	s15 =	simm.s32 $0x3080  }
0x139: {  	[tilespmem:s15], [sflag:$0x1] =	stream.indirect_vreg.gather [hbm4b:s14+s3], $0x80, v2, vm0, $0xb8;
	[tilespmem:$0x18080] =	vst v63  }
0x13a: {  	s29 =	simm.s32 $0x3880;
	s30 =	rddreg [dreg:$0x13]  }
0x13b: {  	[tilespmem:s29], [sflag:$0x1] =	stream.indirect_vreg.gather [hbm4b:s30+s3], $0x80, v2, vm0, $0xb8;
	[tilespmem:$0x18080] =	vst v63  }
0x13c: {  	s14 =	simm.s32 $0x4080  }
0x13d: {  	[tilespmem:s14], [sflag:$0x1] =	stream.indirect_vreg.gather [hbm4b:s18+s3], $0x80, v2, vm0, $0xb8;
	[tilespmem:$0x18080] =	vst v63  }
0x13e: {  	s15 =	simm.s32 $0x4880  }
0x13f: {  	[tilespmem:s15], [sflag:$0x1] =	stream.indirect_vreg.gather [hbm4b:s26+s3], $0x80, v2, vm0, $0xb8;
	[tilespmem:$0x18080] =	vst v63  }
0x140: {  	s18 =	simm.s32 $0x5080  }
0x141: {  	[tilespmem:s18], [sflag:$0x1] =	stream.indirect_vreg.gather [hbm4b:s28+s3], $0x80, v2, vm0, $0xb8;
	[tilespmem:$0x18080] =	vst v63  }
0x142: {  	s26 =	simm.s32 $0x5880;
	s28 =	rddreg [dreg:$0x17]  }
0x143: {  	[tilespmem:s26], [sflag:$0x1] =	stream.indirect_vreg.gather [hbm4b:s28+s3], $0x80, v2, vm0, $0xb8;
	[tilespmem:$0x18080] =	vst v63  }
0x144: {  	s29 =	simm.s32 $0x6080;
	s30 =	rddreg [dreg:$0x18]  }
0x145: {  	[tilespmem:s29], [sflag:$0x1] =	stream.indirect_vreg.gather [hbm4b:s30+s3], $0x80, v2, vm0, $0xb8;
	[tilespmem:$0x18080] =	vst v63  }
0x146: {  	s9 =	simm.s32 $0x6880  }
0x147: {  	[tilespmem:s9], [sflag:$0x1] =	stream.indirect_vreg.gather [hbm4b:s16+s3], $0x80, v2, vm0, $0xb8;
	[tilespmem:$0x18080] =	vst v63  }
0x148: {  	s14 =	simm.s32 $0x7080  }
0x149: {  	[tilespmem:s14], [sflag:$0x1] =	stream.indirect_vreg.gather [hbm4b:s12+s3], $0x80, v2, vm0, $0xb8;
	[tilespmem:$0x18080] =	vst v63  }
0x14a: {  	s15 =	simm.s32 $0x7880  }
0x14b: {  	[tilespmem:s15], [sflag:$0x1] =	stream.indirect_vreg.gather [hbm4b:s25+s3], $0x80, v2, vm0, $0xb8;
	[tilespmem:$0x18080] =	vst v63  }
0x14c: {  	_ =	swait.ge [sflag:s7], $0x8000  }
0x14d: {  	[sflag:s7] =	ssyncset.done $0x0  }
0x14e: {  	s18 =	simm.s32 $0x8080;
	s16 =	rddreg [dreg:$0x9];
	[sflag:s7] =	ssyncadd.s32 $0xFFFF8000  }
0x14f: {  	[hbm4b:s16+s3] =	stream.linear.scatter [tilespmem:s18], [sflag:$0x4], $0x8000, $0x38;
	[tilespmem:$0x18080] =	vst v63  }
0x150: {  	_ =	swait.ge [sflag:s31], $0x8000  }
0x151: {  	[sflag:s31] =	ssyncset.done $0x0  }
0x152: {  	[sflag:s31] =	ssyncadd.s32 $0xFFFF8000  }
0x153: {  	v2 =	vld.msk [tilespmem:$0x18], $0xff;
	_ =	sdelay $0x4  }
0x154: {  	v3 =	vshll.u32 v2, $0x6  }
0x155: {  	v2 =	vand.u32 $0x7, v2;
	v3 =	vand.u32 $0xFFFFFE00, v3  }
0x156: {  	v2 =	vor.u32 v2, v3  }
0x157: {  	v2 =	vperm.xlane v2, v0;
	_ =	sdelay $0x1  }
0x158: {  	v2 =	vadd.s32 v1, v2;
	_ =	sdelay $0x4  }
0x159: {  	[tilespmem:s18], [sflag:$0x2] =	stream.indirect_vreg.gather [hbm4b:s19+s3], $0x80, v2, vm0, $0xb8;
	[tilespmem:$0x18080] =	vst v63  }
0x15a: {  	s25 =	simm.s32 $0x8880  }
0x15b: {  	[tilespmem:s25], [sflag:$0x2] =	stream.indirect_vreg.gather [hbm4b:s2+s3], $0x80, v2, vm0, $0xb8;
	[tilespmem:$0x18080] =	vst v63  }
0x15c: {  	s26 =	simm.s32 $0x9080  }
0x15d: {  	[tilespmem:s26], [sflag:$0x2] =	stream.indirect_vreg.gather [hbm4b:s0+s3], $0x80, v2, vm0, $0xb8;
	[tilespmem:$0x18080] =	vst v63  }
0x15e: {  	s28 =	simm.s32 $0x9880  }
0x15f: {  	[tilespmem:s28], [sflag:$0x2] =	stream.indirect_vreg.gather [hbm4b:s1+s3], $0x80, v2, vm0, $0xb8;
	[tilespmem:$0x18080] =	vst v63  }
0x160: {  	s29 =	simm.s32 $0xA080;
	s30 =	rddreg [dreg:$0x1d]  }
0x161: {  	[tilespmem:s29], [sflag:$0x2] =	stream.indirect_vreg.gather [hbm4b:s30+s3], $0x80, v2, vm0, $0xb8;
	[tilespmem:$0x18080] =	vst v63  }
0x162: {  	s1 =	simm.s32 $0xA880  }
0x163: {  	[tilespmem:s1], [sflag:$0x2] =	stream.indirect_vreg.gather [hbm4b:s21+s3], $0x80, v2, vm0, $0xb8;
	[tilespmem:$0x18080] =	vst v63  }
0x164: {  	s2 =	simm.s32 $0xB080  }
0x165: {  	[tilespmem:s2], [sflag:$0x2] =	stream.indirect_vreg.gather [hbm4b:s4+s3], $0x80, v2, vm0, $0xb8;
	[tilespmem:$0x18080] =	vst v63  }
0x166: {  	s4 =	simm.s32 $0xB880  }
0x167: {  	[tilespmem:s4], [sflag:$0x2] =	stream.indirect_vreg.gather [hbm4b:s11+s3], $0x80, v2, vm0, $0xb8;
	[tilespmem:$0x18080] =	vst v63  }
0x168: {  	s9 =	simm.s32 $0xC080;
	s11 =	rddreg [dreg:$0x1f]  }
0x169: {  	[tilespmem:s9], [sflag:$0x2] =	stream.indirect_vreg.gather [hbm4b:s11+s3], $0x80, v2, vm0, $0xb8;
	[tilespmem:$0x18080] =	vst v63  }
0x16a: {  	s12 =	simm.s32 $0xC880;
	s14 =	rddreg [dreg:$0x1e]  }
0x16b: {  	[tilespmem:s12], [sflag:$0x2] =	stream.indirect_vreg.gather [hbm4b:s14+s3], $0x80, v2, vm0, $0xb8;
	[tilespmem:$0x18080] =	vst v63  }
0x16c: {  	s15 =	simm.s32 $0xD080  }
0x16d: {  	[tilespmem:s15], [sflag:$0x2] =	stream.indirect_vreg.gather [hbm4b:s5+s3], $0x80, v2, vm0, $0xb8;
	[tilespmem:$0x18080] =	vst v63  }
0x16e: {  	s16 =	simm.s32 $0xD880  }
0x16f: {  	[tilespmem:s16], [sflag:$0x2] =	stream.indirect_vreg.gather [hbm4b:s24+s3], $0x80, v2, vm0, $0xb8;
	[tilespmem:$0x18080] =	vst v63  }
0x170: {  	s18 =	simm.s32 $0xE080  }
0x171: {  	[tilespmem:s18], [sflag:$0x2] =	stream.indirect_vreg.gather [hbm4b:s23+s3], $0x80, v2, vm0, $0xb8;
	[tilespmem:$0x18080] =	vst v63  }
0x172: {  	s21 =	simm.s32 $0xE880  }
0x173: {  	[tilespmem:s21], [sflag:$0x2] =	stream.indirect_vreg.gather [hbm4b:s22+s3], $0x80, v2, vm0, $0xb8;
	[tilespmem:$0x18080] =	vst v63  }
0x174: {  	s23 =	simm.s32 $0xF080  }
0x175: {  	[tilespmem:s23], [sflag:$0x2] =	stream.indirect_vreg.gather [hbm4b:s20+s3], $0x80, v2, vm0, $0xb8;
	[tilespmem:$0x18080] =	vst v63  }
0x176: {  	s24 =	simm.s32 $0xF880  }
0x177: {  	[tilespmem:s24], [sflag:$0x2] =	stream.indirect_vreg.gather [hbm4b:s17+s3], $0x80, v2, vm0, $0xb8;
	[tilespmem:$0x18080] =	vst v63  }
0x178: {  	_ =	swait.ge [sflag:s10], $0x8000  }
0x179: {  	[sflag:s10] =	ssyncset.done $0x0  }
0x17a: {  	s26 =	simm.s32 $0x10080;
	s25 =	rddreg [dreg:$0xa];
	[sflag:s10] =	ssyncadd.s32 $0xFFFF8000  }
0x17b: {  	[hbm4b:s25+s3] =	stream.linear.scatter [tilespmem:s26], [sflag:$0x4], $0x8000, $0x38;
	[tilespmem:$0x18080] =	vst v63  }
0x17c: {  	_ =	swait.ge [sflag:s31], $0x8000  }
0x17d: {  	[sflag:s31] =	ssyncset.done $0x0  }
0x17e: {  	[sflag:s31] =	ssyncadd.s32 $0xFFFF8000  }
0x17f: {  	_ =	swait.ge [sflag:s13], $0x8000  }
0x180: {  	[sflag:s13] =	ssyncset.done $0x0  }
0x181: {  	s6 =	simm.s32 $0x80;
	s28 =	rddreg [dreg:$0xb];
	[sflag:s13] =	ssyncadd.s32 $0xFFFF8000  }
0x182: {  	[hbm4b:s28+s3] =	stream.linear.scatter [tilespmem:s6], [sflag:$0x4], $0x8000, $0x38;
	[tilespmem:$0x18080] =	vst v63  }
0x183: {  	_ =	swait.ge [sflag:s31], $0x8000  }
0x184: {  	[sflag:s31] =	ssyncset.done $0x0  }
0x185: {  	[sflag:s31] =	ssyncadd.s32 $0xFFFF8000  }
0x186: {  	_ =	swait.ge [sflag:s7], $0x8000  }
0x187: {  	s30 =	rddreg [dreg:$0x1c]  }
0x188: {  	s8 =	simm.s32 $0x8080;
	[sflag:s7] =	ssyncset.done $0x0;
	p0 =	sne.s32 s30, $0x1  }
.Ltmp0:
0x189: {  	s29 =	rddreg [dreg:$0xc];
	[sflag:s7] =	ssyncadd.s32 $0xFFFF8000;
	(pc) =	sbr.rel @p0 .LBB2_1-.Ltmp0, $4  }
0x18a: {  	[hbm4b:s29+s3] =	stream.linear.scatter [tilespmem:s8], [sflag:$0x4], $0x8000, $0x38;
	[tilespmem:$0x18080] =	vst v63  }
0x18b: {  	_ =	swait.ge [sflag:s31], $0x8000  }
0x18c: {  	[sflag:s31] =	ssyncset.done $0x0  }
0x18d: {  	s0 =	sadd.s32 $0xFFFFFFFF, s30;
	[sflag:s31] =	ssyncadd.s32 $0xFFFF8000  }
0x18e: {  	_ =	sfence.sel $0x180000  }
0x18f: {  	[bflag:$0x0] =	sbarrier.arrive $0xFFFF  }
0x190: {  	_ =	strace $0x90000047  }
0x191: {  	s0 =	stileid.u32;
	[bflag:$0x2] =	sbarrier.arrive $0xFFFF  }
0x192: {  	p0 =	sne.s32 s0, $0x0;
	s0 =	rddreg [dreg:$0x3]  }
0x193: {  	s0 =	sadd.s32 @!p0 $0x100000, s0  }
0x194: {  	[sflag:s0] =	ssyncadd.tile.s32 @!p0 $0x1;
	_ =	shalt  }
.Lfunc_end2:
_tile_overlayer_lowered:
.L_overlay_start_2:
0x195: {  	(tag) =	ssettag $0x2  }
0x196: {  	s0 =	rddreg [dreg:$0x0];
	s2 =	stileid.u32  }
0x197: {  	s1 =	rddreg [dreg:$0x1];
	p0 =	sne.s32 s2, $0x0  }
0x198: {  	s3 =	rddreg [dreg:$0x2];
	[bflag:$0x3] =	sbarrier.arrive $0xFFFF;
	s2 =	simm.s32 @!p0 $0x1C04  }
0x199: {  	[timem:s3], [sflag:s2] =	dma.local @!p0 [hbm:s0], s1  }
0x19a: {  	s0 =	simm.s32 @!p0 $0x4  }
0x19b: {  	_ =	swait.ge @!p0 [sflag:s0], s1  }
0x19c: {  	s1 =	ssub.s32 @!p0 $0x0, s1;
	[sflag:s0] =	ssyncset.done @!p0 $0x0  }
0x19d: {  	[sflag:s0] =	ssyncadd.s32 @!p0 s1  }
0x19e: {  	[bflag:$0x3] =	sbarrier.arrive $0xFFFF  }
0x19f: {  	_ =	shalt  }

</sc_bundles>
